<compile_context>
chip_gen: v7x
topology: tpu7x:2x2x1
jax: 0.10.2.dev20260603
libtpu: 0.0.44.dev20260713+nightly
codegen_flags: <defaults>
</compile_context>

<pallas_src>
import functools

import jax
import jax.numpy as jnp
from jax import lax
from jax.experimental import pallas as pl
from jax.experimental.pallas import tpu as pltpu
from jax.experimental.pallas import tpu_sc as plsc

_NW = 32
_RPC = 8
_LANES = 16


def _sc_body(pe_hbm, out_hbm, pe_v, buf0, buf1, sem0, sem1, *, flat, batch):
    wid = lax.axis_index("s") * 2 + lax.axis_index("c")
    pltpu.sync_copy(pe_hbm, pe_v)
    n_chunks = flat // _RPC
    per_w = n_chunks // _NW
    base = wid * per_w

    def fill(buf, c):
        for k in range(_RPC):
            idx = jnp.full((_LANES,), c * _RPC + k, jnp.int32)
            val = plsc.load_gather(pe_v, [idx])

            def body(j, _):
                for u in range(8):
                    buf[k, pl.ds((j * 8 + u) * _LANES, _LANES)] = val
                return 0

            lax.fori_loop(0, batch // (8 * _LANES), body, 0)

    def step(t, _):
        c0 = base + 2 * t
        c1 = c0 + 1

        @pl.when(t > 0)
        def _():
            pltpu.make_async_copy(buf0, out_hbm.at[pl.ds(c0 * _RPC, _RPC), :], sem0).wait()
            pltpu.make_async_copy(buf1, out_hbm.at[pl.ds(c1 * _RPC, _RPC), :], sem1).wait()

        fill(buf0, c0)
        pltpu.make_async_copy(buf0, out_hbm.at[pl.ds(c0 * _RPC, _RPC), :], sem0).start()
        fill(buf1, c1)
        pltpu.make_async_copy(buf1, out_hbm.at[pl.ds(c1 * _RPC, _RPC), :], sem1).start()
        return 0

    lax.fori_loop(0, per_w // 2, step, 0)
    last0 = base + per_w - 2
    pltpu.make_async_copy(buf0, out_hbm.at[pl.ds(last0 * _RPC, _RPC), :], sem0).wait()
    pltpu.make_async_copy(buf1, out_hbm.at[pl.ds((last0 + 1) * _RPC, _RPC), :], sem1).wait()


def kernel(x, pe_weight):
    batch = x.shape[0]
    max_len, d_model = pe_weight.shape
    flat = max_len * d_model
    mesh = plsc.VectorSubcoreMesh(core_axis_name="c", subcore_axis_name="s")
    k = pl.kernel(
        functools.partial(_sc_body, flat=flat, batch=batch),
        out_type=jax.ShapeDtypeStruct((flat, batch), pe_weight.dtype),
        mesh=mesh,
        scratch_types=[
            pltpu.VMEM((flat,), pe_weight.dtype),
            pltpu.VMEM((_RPC, batch), pe_weight.dtype),
            pltpu.VMEM((_RPC, batch), pe_weight.dtype),
            pltpu.SemaphoreType.DMA,
            pltpu.SemaphoreType.DMA,
        ],
        compiler_params=pltpu.CompilerParams(
            use_tc_tiling_on_sc=True, needs_layout_passes=False
        ),
    )
    out_t = k(pe_weight.reshape(flat))
    return out_t.T.reshape(batch, max_len, d_model)

# --- scband reference (transcript-rebuilt; emitter-appended) ---
"""Pipeline reference for scband-positional-embedding-22849226015356 (READ-ONLY COPY).

The authoritative reference and input builder live on the scoring server;
editing this copy changes nothing except your own understanding.
"""

import jax, jax.numpy as jnp
import numpy as np

BATCH = 4096
MAX_LEN = 200
D_MODEL = 64


def setup_inputs(seed: int = 0) -> dict:
    key = jax.random.key(seed)
    k1, k2 = jax.random.split(key)
    x = jax.random.randint(k1, (BATCH, MAX_LEN), 0, MAX_LEN, dtype=jnp.int64 if jax.config.jax_enable_x64 else jnp.int32).astype(jnp.int32)
    pe_weight = jax.random.normal(k2, (MAX_LEN, D_MODEL), dtype=jnp.float32)
    return {"x": x, "pe_weight": pe_weight}


def reference(x, pe_weight):
    # PositionalEmbedding.forward: only batch size of x is used.
    # return self.pe.weight.unsqueeze(0).repeat(batch_size, 1, 1)
    batch_size = x.shape[0]
    return jnp.tile(pe_weight[None, :, :], (batch_size, 1, 1))

if __name__ == "__main__":
    import jax
    _d = setup_inputs()
    print(jax.jit(kernel)(*tuple(_d.values())))

</pallas_src>

<mosaic_0001>
#map = affine_map<(d0, d1) -> (0)>
#map1 = affine_map<(d0, d1) -> (0, 0)>
module attributes {stable_mosaic.version = 14 : i64} {
  func.func @_sc_body(%arg0: i32, %arg1: i32, %arg2: memref<12800xf32, #tpu.memory_space<hbm>>, %arg3: memref<12800x4096xf32, #tpu.memory_space<hbm>>, %arg4: memref<12800xf32, #tpu.memory_space<vmem>>, %arg5: memref<8x4096xf32, #tpu.memory_space<vmem>>, %arg6: memref<8x4096xf32, #tpu.memory_space<vmem>>, %arg7: memref<!tpu.dma_semaphore, #tpu.memory_space<semaphore_mem>>, %arg8: memref<!tpu.dma_semaphore, #tpu.memory_space<semaphore_mem>>) attributes {dimension_semantics = [#tpu.dimension_semantics<core_parallel>, #tpu.dimension_semantics<subcore_parallel>], iteration_bounds = array<i64: 2, 16>, scalar_prefetch = 0 : i64, scratch_operands = 5 : i64, tpu.core_type = #tpu.core_type<sc_vector_subcore>, window_params = [{transform_indices = #map}, {transform_indices = #map1}]} {
    %mul3A = arith.constant 2 : i32
    %mul3A_0 = arith.muli %arg1, %mul3A : i32
    %add3A = arith.addi %mul3A_0, %arg0 : i32
    "tpu.region"() ({
      %run_scoped3A = tpu.sem_alloc : memref<!tpu.dma_semaphore, #tpu.memory_space<semaphore_mem>>
      tpu.enqueue_dma source(%arg2 : memref<12800xf32, #tpu.memory_space<hbm>>) target(%arg4 : memref<12800xf32, #tpu.memory_space<vmem>>) target_semaphore(%run_scoped3A : memref<!tpu.dma_semaphore, #tpu.memory_space<semaphore_mem>>)
      tpu.wait_dma2 semaphore(%run_scoped3A : memref<!tpu.dma_semaphore, #tpu.memory_space<semaphore_mem>>) src(%arg2 : memref<12800xf32, #tpu.memory_space<hbm>>) dst(%arg4 : memref<12800xf32, #tpu.memory_space<vmem>>)
      tpu.yield
    }) : () -> ()
    %mul3A_1 = arith.constant 50 : i32
    %mul3A_2 = arith.muli %add3A, %mul3A_1 : i32
    %scan3A = arith.constant 0 : i32
    %scan3A_3 = arith.constant 0 : i32
    %scan3A_4 = arith.constant 25 : i32
    %scan3A_5 = arith.addi %scan3A_3, %scan3A_4 : i32
    %scan3A_6 = arith.constant 1 : i32
    %scan3A_7 = scf.for %scan3A_25 = %scan3A_3 to %scan3A_5 step %scan3A_6 iter_args(%scan3A_26 = %scan3A) -> (i32)  : i32 {
      %mul3A_27 = arith.constant 2 : i32
      %mul3A_28 = arith.muli %mul3A_27, %scan3A_25 : i32
      %add3A_29 = arith.addi %mul3A_2, %mul3A_28 : i32
      %add3A_30 = arith.constant 1 : i32
      %add3A_31 = arith.addi %add3A_29, %add3A_30 : i32
      %gt3A = arith.constant 0 : i32
      %gt3A_32 = arith.cmpi sgt, %scan3A_25, %gt3A : i32
      %convert_element_type3A = arith.extui %gt3A_32 : i1 to i32
      %cond3A = arith.constant 0 : i32
      %cond3A_33 = arith.cmpi ne, %convert_element_type3A, %cond3A : i32
      scf.if %cond3A_33 {
        %mul3A_252 = arith.constant 8 : i32
        %mul3A_253 = arith.muli %add3A_29, %mul3A_252 : i32
        %dma_wait3A_254 = arith.constant 0 : i32
        %dma_wait3A_255 = tpu.memref_slice %arg3[%mul3A_253, %dma_wait3A_254] : memref<12800x4096xf32, #tpu.memory_space<hbm>> -> memref<8x4096xf32, #tpu.memory_space<hbm>>
        %dma_wait3A_256 = arith.constant 0 : i32
        %dma_wait3A_257 = tpu.memref_slice %arg3[%mul3A_253, %dma_wait3A_256] : memref<12800x4096xf32, #tpu.memory_space<hbm>> -> memref<8x4096xf32, #tpu.memory_space<hbm>>
        tpu.wait_dma2 semaphore(%arg7 : memref<!tpu.dma_semaphore, #tpu.memory_space<semaphore_mem>>) src(%arg5 : memref<8x4096xf32, #tpu.memory_space<vmem>>) dst(%dma_wait3A_257 : memref<8x4096xf32, #tpu.memory_space<hbm>>)
        %mul3A_258 = arith.constant 8 : i32
        %mul3A_259 = arith.muli %add3A_31, %mul3A_258 : i32
        %dma_wait3A_260 = arith.constant 0 : i32
        %dma_wait3A_261 = tpu.memref_slice %arg3[%mul3A_259, %dma_wait3A_260] : memref<12800x4096xf32, #tpu.memory_space<hbm>> -> memref<8x4096xf32, #tpu.memory_space<hbm>>
        %dma_wait3A_262 = arith.constant 0 : i32
        %dma_wait3A_263 = tpu.memref_slice %arg3[%mul3A_259, %dma_wait3A_262] : memref<12800x4096xf32, #tpu.memory_space<hbm>> -> memref<8x4096xf32, #tpu.memory_space<hbm>>
        tpu.wait_dma2 semaphore(%arg8 : memref<!tpu.dma_semaphore, #tpu.memory_space<semaphore_mem>>) src(%arg6 : memref<8x4096xf32, #tpu.memory_space<vmem>>) dst(%dma_wait3A_263 : memref<8x4096xf32, #tpu.memory_space<hbm>>)
      } else {
      }
      %mul3A_34 = arith.constant 8 : i32
      %mul3A_35 = arith.muli %add3A_29, %mul3A_34 : i32
      %add3A_36 = arith.constant 0 : i32
      %add3A_37 = arith.addi %mul3A_35, %add3A_36 : i32
      %broadcast_in_dim3A = vector.broadcast %add3A_37 : i32 to vector<16xi32>
      %gather3A = tpu.vector_load_idx %arg4[%broadcast_in_dim3A] : memref<12800xf32, #tpu.memory_space<vmem>>[vector<16xi32>], vector<16xf32>,
      %scan3A_38 = arith.constant 0 : i32
      %scan3A_39 = arith.constant 0 : i32
      %scan3A_40 = arith.constant 32 : i32
      %scan3A_41 = arith.addi %scan3A_39, %scan3A_40 : i32
      %scan3A_42 = arith.constant 1 : i32
      %scan3A_43 = scf.for %scan3A_252 = %scan3A_39 to %scan3A_41 step %scan3A_42 iter_args(%scan3A_253 = %scan3A_38) -> (i32)  : i32 {
        %mul3A_254 = arith.constant 8 : i32
        %mul3A_255 = arith.muli %scan3A_252, %mul3A_254 : i32
        %add3A_256 = arith.constant 0 : i32
        %add3A_257 = arith.addi %mul3A_255, %add3A_256 : i32
        %mul3A_258 = arith.constant 16 : i32
        %mul3A_259 = arith.muli %add3A_257, %mul3A_258 : i32
        %swap3A = arith.constant 0 : i32
        %swap3A_260 = arith.index_cast %swap3A : i32 to index
        %swap3A_261 = arith.index_cast %mul3A_259 : i32 to index
        %swap3A_262 = tpu.vector_load %arg5[%swap3A_260, %swap3A_261] {strides = array<i32>} : memref<8x4096xf32, #tpu.memory_space<vmem>>, vector<16xf32>,
        tpu.vector_store %arg5[%swap3A_260, %swap3A_261], %gather3A {strides = array<i32>} : memref<8x4096xf32, #tpu.memory_space<vmem>>, vector<16xf32>,
        %mul3A_263 = arith.constant 8 : i32
        %mul3A_264 = arith.muli %scan3A_252, %mul3A_263 : i32
        %add3A_265 = arith.constant 1 : i32
        %add3A_266 = arith.addi %mul3A_264, %add3A_265 : i32
        %mul3A_267 = arith.constant 16 : i32
        %mul3A_268 = arith.muli %add3A_266, %mul3A_267 : i32
        %swap3A_269 = arith.constant 0 : i32
        %swap3A_270 = arith.index_cast %swap3A_269 : i32 to index
        %swap3A_271 = arith.index_cast %mul3A_268 : i32 to index
        %swap3A_272 = tpu.vector_load %arg5[%swap3A_270, %swap3A_271] {strides = array<i32>} : memref<8x4096xf32, #tpu.memory_space<vmem>>, vector<16xf32>,
        tpu.vector_store %arg5[%swap3A_270, %swap3A_271], %gather3A {strides = array<i32>} : memref<8x4096xf32, #tpu.memory_space<vmem>>, vector<16xf32>,
        %mul3A_273 = arith.constant 8 : i32
        %mul3A_274 = arith.muli %scan3A_252, %mul3A_273 : i32
        %add3A_275 = arith.constant 2 : i32
        %add3A_276 = arith.addi %mul3A_274, %add3A_275 : i32
        %mul3A_277 = arith.constant 16 : i32
        %mul3A_278 = arith.muli %add3A_276, %mul3A_277 : i32
        %swap3A_279 = arith.constant 0 : i32
        %swap3A_280 = arith.index_cast %swap3A_279 : i32 to index
        %swap3A_281 = arith.index_cast %mul3A_278 : i32 to index
        %swap3A_282 = tpu.vector_load %arg5[%swap3A_280, %swap3A_281] {strides = array<i32>} : memref<8x4096xf32, #tpu.memory_space<vmem>>, vector<16xf32>,
        tpu.vector_store %arg5[%swap3A_280, %swap3A_281], %gather3A {strides = array<i32>} : memref<8x4096xf32, #tpu.memory_space<vmem>>, vector<16xf32>,
        %mul3A_283 = arith.constant 8 : i32
        %mul3A_284 = arith.muli %scan3A_252, %mul3A_283 : i32
        %add3A_285 = arith.constant 3 : i32
        %add3A_286 = arith.addi %mul3A_284, %add3A_285 : i32
        %mul3A_287 = arith.constant 16 : i32
        %mul3A_288 = arith.muli %add3A_286, %mul3A_287 : i32
        %swap3A_289 = arith.constant 0 : i32
        %swap3A_290 = arith.index_cast %swap3A_289 : i32 to index
        %swap3A_291 = arith.index_cast %mul3A_288 : i32 to index
        %swap3A_292 = tpu.vector_load %arg5[%swap3A_290, %swap3A_291] {strides = array<i32>} : memref<8x4096xf32, #tpu.memory_space<vmem>>, vector<16xf32>,
        tpu.vector_store %arg5[%swap3A_290, %swap3A_291], %gather3A {strides = array<i32>} : memref<8x4096xf32, #tpu.memory_space<vmem>>, vector<16xf32>,
        %mul3A_293 = arith.constant 8 : i32
        %mul3A_294 = arith.muli %scan3A_252, %mul3A_293 : i32
        %add3A_295 = arith.constant 4 : i32
        %add3A_296 = arith.addi %mul3A_294, %add3A_295 : i32
        %mul3A_297 = arith.constant 16 : i32
        %mul3A_298 = arith.muli %add3A_296, %mul3A_297 : i32
        %swap3A_299 = arith.constant 0 : i32
        %swap3A_300 = arith.index_cast %swap3A_299 : i32 to index
        %swap3A_301 = arith.index_cast %mul3A_298 : i32 to index
        %swap3A_302 = tpu.vector_load %arg5[%swap3A_300, %swap3A_301] {strides = array<i32>} : memref<8x4096xf32, #tpu.memory_space<vmem>>, vector<16xf32>,
        tpu.vector_store %arg5[%swap3A_300, %swap3A_301], %gather3A {strides = array<i32>} : memref<8x4096xf32, #tpu.memory_space<vmem>>, vector<16xf32>,
        %mul3A_303 = arith.constant 8 : i32
        %mul3A_304 = arith.muli %scan3A_252, %mul3A_303 : i32
        %add3A_305 = arith.constant 5 : i32
        %add3A_306 = arith.addi %mul3A_304, %add3A_305 : i32
        %mul3A_307 = arith.constant 16 : i32
        %mul3A_308 = arith.muli %add3A_306, %mul3A_307 : i32
        %swap3A_309 = arith.constant 0 : i32
        %swap3A_310 = arith.index_cast %swap3A_309 : i32 to index
        %swap3A_311 = arith.index_cast %mul3A_308 : i32 to index
        %swap3A_312 = tpu.vector_load %arg5[%swap3A_310, %swap3A_311] {strides = array<i32>} : memref<8x4096xf32, #tpu.memory_space<vmem>>, vector<16xf32>,
        tpu.vector_store %arg5[%swap3A_310, %swap3A_311], %gather3A {strides = array<i32>} : memref<8x4096xf32, #tpu.memory_space<vmem>>, vector<16xf32>,
        %mul3A_313 = arith.constant 8 : i32
        %mul3A_314 = arith.muli %scan3A_252, %mul3A_313 : i32
        %add3A_315 = arith.constant 6 : i32
        %add3A_316 = arith.addi %mul3A_314, %add3A_315 : i32
        %mul3A_317 = arith.constant 16 : i32
        %mul3A_318 = arith.muli %add3A_316, %mul3A_317 : i32
        %swap3A_319 = arith.constant 0 : i32
        %swap3A_320 = arith.index_cast %swap3A_319 : i32 to index
        %swap3A_321 = arith.index_cast %mul3A_318 : i32 to index
        %swap3A_322 = tpu.vector_load %arg5[%swap3A_320, %swap3A_321] {strides = array<i32>} : memref<8x4096xf32, #tpu.memory_space<vmem>>, vector<16xf32>,
        tpu.vector_store %arg5[%swap3A_320, %swap3A_321], %gather3A {strides = array<i32>} : memref<8x4096xf32, #tpu.memory_space<vmem>>, vector<16xf32>,
        %mul3A_323 = arith.constant 8 : i32
        %mul3A_324 = arith.muli %scan3A_252, %mul3A_323 : i32
        %add3A_325 = arith.constant 7 : i32
        %add3A_326 = arith.addi %mul3A_324, %add3A_325 : i32
        %mul3A_327 = arith.constant 16 : i32
        %mul3A_328 = arith.muli %add3A_326, %mul3A_327 : i32
        %swap3A_329 = arith.constant 0 : i32
        %swap3A_330 = arith.index_cast %swap3A_329 : i32 to index
        %swap3A_331 = arith.index_cast %mul3A_328 : i32 to index
        %swap3A_332 = tpu.vector_load %arg5[%swap3A_330, %swap3A_331] {strides = array<i32>} : memref<8x4096xf32, #tpu.memory_space<vmem>>, vector<16xf32>,
        tpu.vector_store %arg5[%swap3A_330, %swap3A_331], %gather3A {strides = array<i32>} : memref<8x4096xf32, #tpu.memory_space<vmem>>, vector<16xf32>,
        %scan3A_333 = arith.constant 0 : i32
        scf.yield %scan3A_333 : i32
      }
      %scan3A_44 = arith.constant 32 : i32
      %mul3A_45 = arith.constant 8 : i32
      %mul3A_46 = arith.muli %add3A_29, %mul3A_45 : i32
      %add3A_47 = arith.constant 1 : i32
      %add3A_48 = arith.addi %mul3A_46, %add3A_47 : i32
      %broadcast_in_dim3A_49 = vector.broadcast %add3A_48 : i32 to vector<16xi32>
      %gather3A_50 = tpu.vector_load_idx %arg4[%broadcast_in_dim3A_49] : memref<12800xf32, #tpu.memory_space<vmem>>[vector<16xi32>], vector<16xf32>,
      %scan3A_51 = arith.constant 0 : i32
      %scan3A_52 = arith.constant 0 : i32
      %scan3A_53 = arith.constant 32 : i32
      %scan3A_54 = arith.addi %scan3A_52, %scan3A_53 : i32
      %scan3A_55 = arith.constant 1 : i32
      %scan3A_56 = scf.for %scan3A_252 = %scan3A_52 to %scan3A_54 step %scan3A_55 iter_args(%scan3A_253 = %scan3A_51) -> (i32)  : i32 {
        %mul3A_254 = arith.constant 8 : i32
        %mul3A_255 = arith.muli %scan3A_252, %mul3A_254 : i32
        %add3A_256 = arith.constant 0 : i32
        %add3A_257 = arith.addi %mul3A_255, %add3A_256 : i32
        %mul3A_258 = arith.constant 16 : i32
        %mul3A_259 = arith.muli %add3A_257, %mul3A_258 : i32
        %swap3A = arith.constant 1 : i32
        %swap3A_260 = arith.index_cast %swap3A : i32 to index
        %swap3A_261 = arith.index_cast %mul3A_259 : i32 to index
        %swap3A_262 = tpu.vector_load %arg5[%swap3A_260, %swap3A_261] {strides = array<i32>} : memref<8x4096xf32, #tpu.memory_space<vmem>>, vector<16xf32>,
        tpu.vector_store %arg5[%swap3A_260, %swap3A_261], %gather3A_50 {strides = array<i32>} : memref<8x4096xf32, #tpu.memory_space<vmem>>, vector<16xf32>,
        %mul3A_263 = arith.constant 8 : i32
        %mul3A_264 = arith.muli %scan3A_252, %mul3A_263 : i32
        %add3A_265 = arith.constant 1 : i32
        %add3A_266 = arith.addi %mul3A_264, %add3A_265 : i32
        %mul3A_267 = arith.constant 16 : i32
        %mul3A_268 = arith.muli %add3A_266, %mul3A_267 : i32
        %swap3A_269 = arith.constant 1 : i32
        %swap3A_270 = arith.index_cast %swap3A_269 : i32 to index
        %swap3A_271 = arith.index_cast %mul3A_268 : i32 to index
        %swap3A_272 = tpu.vector_load %arg5[%swap3A_270, %swap3A_271] {strides = array<i32>} : memref<8x4096xf32, #tpu.memory_space<vmem>>, vector<16xf32>,
        tpu.vector_store %arg5[%swap3A_270, %swap3A_271], %gather3A_50 {strides = array<i32>} : memref<8x4096xf32, #tpu.memory_space<vmem>>, vector<16xf32>,
        %mul3A_273 = arith.constant 8 : i32
        %mul3A_274 = arith.muli %scan3A_252, %mul3A_273 : i32
        %add3A_275 = arith.constant 2 : i32
        %add3A_276 = arith.addi %mul3A_274, %add3A_275 : i32
        %mul3A_277 = arith.constant 16 : i32
        %mul3A_278 = arith.muli %add3A_276, %mul3A_277 : i32
        %swap3A_279 = arith.constant 1 : i32
        %swap3A_280 = arith.index_cast %swap3A_279 : i32 to index
        %swap3A_281 = arith.index_cast %mul3A_278 : i32 to index
        %swap3A_282 = tpu.vector_load %arg5[%swap3A_280, %swap3A_281] {strides = array<i32>} : memref<8x4096xf32, #tpu.memory_space<vmem>>, vector<16xf32>,
        tpu.vector_store %arg5[%swap3A_280, %swap3A_281], %gather3A_50 {strides = array<i32>} : memref<8x4096xf32, #tpu.memory_space<vmem>>, vector<16xf32>,
        %mul3A_283 = arith.constant 8 : i32
        %mul3A_284 = arith.muli %scan3A_252, %mul3A_283 : i32
        %add3A_285 = arith.constant 3 : i32
        %add3A_286 = arith.addi %mul3A_284, %add3A_285 : i32
        %mul3A_287 = arith.constant 16 : i32
        %mul3A_288 = arith.muli %add3A_286, %mul3A_287 : i32
        %swap3A_289 = arith.constant 1 : i32
        %swap3A_290 = arith.index_cast %swap3A_289 : i32 to index
        %swap3A_291 = arith.index_cast %mul3A_288 : i32 to index
        %swap3A_292 = tpu.vector_load %arg5[%swap3A_290, %swap3A_291] {strides = array<i32>} : memref<8x4096xf32, #tpu.memory_space<vmem>>, vector<16xf32>,
        tpu.vector_store %arg5[%swap3A_290, %swap3A_291], %gather3A_50 {strides = array<i32>} : memref<8x4096xf32, #tpu.memory_space<vmem>>, vector<16xf32>,
        %mul3A_293 = arith.constant 8 : i32
        %mul3A_294 = arith.muli %scan3A_252, %mul3A_293 : i32
        %add3A_295 = arith.constant 4 : i32
        %add3A_296 = arith.addi %mul3A_294, %add3A_295 : i32
        %mul3A_297 = arith.constant 16 : i32
        %mul3A_298 = arith.muli %add3A_296, %mul3A_297 : i32
        %swap3A_299 = arith.constant 1 : i32
        %swap3A_300 = arith.index_cast %swap3A_299 : i32 to index
        %swap3A_301 = arith.index_cast %mul3A_298 : i32 to index
        %swap3A_302 = tpu.vector_load %arg5[%swap3A_300, %swap3A_301] {strides = array<i32>} : memref<8x4096xf32, #tpu.memory_space<vmem>>, vector<16xf32>,
        tpu.vector_store %arg5[%swap3A_300, %swap3A_301], %gather3A_50 {strides = array<i32>} : memref<8x4096xf32, #tpu.memory_space<vmem>>, vector<16xf32>,
        %mul3A_303 = arith.constant 8 : i32
        %mul3A_304 = arith.muli %scan3A_252, %mul3A_303 : i32
        %add3A_305 = arith.constant 5 : i32
        %add3A_306 = arith.addi %mul3A_304, %add3A_305 : i32
        %mul3A_307 = arith.constant 16 : i32
        %mul3A_308 = arith.muli %add3A_306, %mul3A_307 : i32
        %swap3A_309 = arith.constant 1 : i32
        %swap3A_310 = arith.index_cast %swap3A_309 : i32 to index
        %swap3A_311 = arith.index_cast %mul3A_308 : i32 to index
        %swap3A_312 = tpu.vector_load %arg5[%swap3A_310, %swap3A_311] {strides = array<i32>} : memref<8x4096xf32, #tpu.memory_space<vmem>>, vector<16xf32>,
        tpu.vector_store %arg5[%swap3A_310, %swap3A_311], %gather3A_50 {strides = array<i32>} : memref<8x4096xf32, #tpu.memory_space<vmem>>, vector<16xf32>,
        %mul3A_313 = arith.constant 8 : i32
        %mul3A_314 = arith.muli %scan3A_252, %mul3A_313 : i32
        %add3A_315 = arith.constant 6 : i32
        %add3A_316 = arith.addi %mul3A_314, %add3A_315 : i32
        %mul3A_317 = arith.constant 16 : i32
        %mul3A_318 = arith.muli %add3A_316, %mul3A_317 : i32
        %swap3A_319 = arith.constant 1 : i32
        %swap3A_320 = arith.index_cast %swap3A_319 : i32 to index
        %swap3A_321 = arith.index_cast %mul3A_318 : i32 to index
        %swap3A_322 = tpu.vector_load %arg5[%swap3A_320, %swap3A_321] {strides = array<i32>} : memref<8x4096xf32, #tpu.memory_space<vmem>>, vector<16xf32>,
        tpu.vector_store %arg5[%swap3A_320, %swap3A_321], %gather3A_50 {strides = array<i32>} : memref<8x4096xf32, #tpu.memory_space<vmem>>, vector<16xf32>,
        %mul3A_323 = arith.constant 8 : i32
        %mul3A_324 = arith.muli %scan3A_252, %mul3A_323 : i32
        %add3A_325 = arith.constant 7 : i32
        %add3A_326 = arith.addi %mul3A_324, %add3A_325 : i32
        %mul3A_327 = arith.constant 16 : i32
        %mul3A_328 = arith.muli %add3A_326, %mul3A_327 : i32
        %swap3A_329 = arith.constant 1 : i32
        %swap3A_330 = arith.index_cast %swap3A_329 : i32 to index
        %swap3A_331 = arith.index_cast %mul3A_328 : i32 to index
        %swap3A_332 = tpu.vector_load %arg5[%swap3A_330, %swap3A_331] {strides = array<i32>} : memref<8x4096xf32, #tpu.memory_space<vmem>>, vector<16xf32>,
        tpu.vector_store %arg5[%swap3A_330, %swap3A_331], %gather3A_50 {strides = array<i32>} : memref<8x4096xf32, #tpu.memory_space<vmem>>, vector<16xf32>,
        %scan3A_333 = arith.constant 0 : i32
        scf.yield %scan3A_333 : i32
      }
      %scan3A_57 = arith.constant 32 : i32
      %mul3A_58 = arith.constant 8 : i32
      %mul3A_59 = arith.muli %add3A_29, %mul3A_58 : i32
      %add3A_60 = arith.constant 2 : i32
      %add3A_61 = arith.addi %mul3A_59, %add3A_60 : i32
      %broadcast_in_dim3A_62 = vector.broadcast %add3A_61 : i32 to vector<16xi32>
      %gather3A_63 = tpu.vector_load_idx %arg4[%broadcast_in_dim3A_62] : memref<12800xf32, #tpu.memory_space<vmem>>[vector<16xi32>], vector<16xf32>,
      %scan3A_64 = arith.constant 0 : i32
      %scan3A_65 = arith.constant 0 : i32
      %scan3A_66 = arith.constant 32 : i32
      %scan3A_67 = arith.addi %scan3A_65, %scan3A_66 : i32
      %scan3A_68 = arith.constant 1 : i32
      %scan3A_69 = scf.for %scan3A_252 = %scan3A_65 to %scan3A_67 step %scan3A_68 iter_args(%scan3A_253 = %scan3A_64) -> (i32)  : i32 {
        %mul3A_254 = arith.constant 8 : i32
        %mul3A_255 = arith.muli %scan3A_252, %mul3A_254 : i32
        %add3A_256 = arith.constant 0 : i32
        %add3A_257 = arith.addi %mul3A_255, %add3A_256 : i32
        %mul3A_258 = arith.constant 16 : i32
        %mul3A_259 = arith.muli %add3A_257, %mul3A_258 : i32
        %swap3A = arith.constant 2 : i32
        %swap3A_260 = arith.index_cast %swap3A : i32 to index
        %swap3A_261 = arith.index_cast %mul3A_259 : i32 to index
        %swap3A_262 = tpu.vector_load %arg5[%swap3A_260, %swap3A_261] {strides = array<i32>} : memref<8x4096xf32, #tpu.memory_space<vmem>>, vector<16xf32>,
        tpu.vector_store %arg5[%swap3A_260, %swap3A_261], %gather3A_63 {strides = array<i32>} : memref<8x4096xf32, #tpu.memory_space<vmem>>, vector<16xf32>,
        %mul3A_263 = arith.constant 8 : i32
        %mul3A_264 = arith.muli %scan3A_252, %mul3A_263 : i32
        %add3A_265 = arith.constant 1 : i32
        %add3A_266 = arith.addi %mul3A_264, %add3A_265 : i32
        %mul3A_267 = arith.constant 16 : i32
        %mul3A_268 = arith.muli %add3A_266, %mul3A_267 : i32
        %swap3A_269 = arith.constant 2 : i32
        %swap3A_270 = arith.index_cast %swap3A_269 : i32 to index
        %swap3A_271 = arith.index_cast %mul3A_268 : i32 to index
        %swap3A_272 = tpu.vector_load %arg5[%swap3A_270, %swap3A_271] {strides = array<i32>} : memref<8x4096xf32, #tpu.memory_space<vmem>>, vector<16xf32>,
        tpu.vector_store %arg5[%swap3A_270, %swap3A_271], %gather3A_63 {strides = array<i32>} : memref<8x4096xf32, #tpu.memory_space<vmem>>, vector<16xf32>,
        %mul3A_273 = arith.constant 8 : i32
        %mul3A_274 = arith.muli %scan3A_252, %mul3A_273 : i32
        %add3A_275 = arith.constant 2 : i32
        %add3A_276 = arith.addi %mul3A_274, %add3A_275 : i32
        %mul3A_277 = arith.constant 16 : i32
        %mul3A_278 = arith.muli %add3A_276, %mul3A_277 : i32
        %swap3A_279 = arith.constant 2 : i32
        %swap3A_280 = arith.index_cast %swap3A_279 : i32 to index
        %swap3A_281 = arith.index_cast %mul3A_278 : i32 to index
        %swap3A_282 = tpu.vector_load %arg5[%swap3A_280, %swap3A_281] {strides = array<i32>} : memref<8x4096xf32, #tpu.memory_space<vmem>>, vector<16xf32>,
        tpu.vector_store %arg5[%swap3A_280, %swap3A_281], %gather3A_63 {strides = array<i32>} : memref<8x4096xf32, #tpu.memory_space<vmem>>, vector<16xf32>,
        %mul3A_283 = arith.constant 8 : i32
        %mul3A_284 = arith.muli %scan3A_252, %mul3A_283 : i32
        %add3A_285 = arith.constant 3 : i32
        %add3A_286 = arith.addi %mul3A_284, %add3A_285 : i32
        %mul3A_287 = arith.constant 16 : i32
        %mul3A_288 = arith.muli %add3A_286, %mul3A_287 : i32
        %swap3A_289 = arith.constant 2 : i32
        %swap3A_290 = arith.index_cast %swap3A_289 : i32 to index
        %swap3A_291 = arith.index_cast %mul3A_288 : i32 to index
        %swap3A_292 = tpu.vector_load %arg5[%swap3A_290, %swap3A_291] {strides = array<i32>} : memref<8x4096xf32, #tpu.memory_space<vmem>>, vector<16xf32>,
        tpu.vector_store %arg5[%swap3A_290, %swap3A_291], %gather3A_63 {strides = array<i32>} : memref<8x4096xf32, #tpu.memory_space<vmem>>, vector<16xf32>,
        %mul3A_293 = arith.constant 8 : i32
        %mul3A_294 = arith.muli %scan3A_252, %mul3A_293 : i32
        %add3A_295 = arith.constant 4 : i32
        %add3A_296 = arith.addi %mul3A_294, %add3A_295 : i32
        %mul3A_297 = arith.constant 16 : i32
        %mul3A_298 = arith.muli %add3A_296, %mul3A_297 : i32
        %swap3A_299 = arith.constant 2 : i32
        %swap3A_300 = arith.index_cast %swap3A_299 : i32 to index
        %swap3A_301 = arith.index_cast %mul3A_298 : i32 to index
        %swap3A_302 = tpu.vector_load %arg5[%swap3A_300, %swap3A_301] {strides = array<i32>} : memref<8x4096xf32, #tpu.memory_space<vmem>>, vector<16xf32>,
        tpu.vector_store %arg5[%swap3A_300, %swap3A_301], %gather3A_63 {strides = array<i32>} : memref<8x4096xf32, #tpu.memory_space<vmem>>, vector<16xf32>,
        %mul3A_303 = arith.constant 8 : i32
        %mul3A_304 = arith.muli %scan3A_252, %mul3A_303 : i32
        %add3A_305 = arith.constant 5 : i32
        %add3A_306 = arith.addi %mul3A_304, %add3A_305 : i32
        %mul3A_307 = arith.constant 16 : i32
        %mul3A_308 = arith.muli %add3A_306, %mul3A_307 : i32
        %swap3A_309 = arith.constant 2 : i32
        %swap3A_310 = arith.index_cast %swap3A_309 : i32 to index
        %swap3A_311 = arith.index_cast %mul3A_308 : i32 to index
        %swap3A_312 = tpu.vector_load %arg5[%swap3A_310, %swap3A_311] {strides = array<i32>} : memref<8x4096xf32, #tpu.memory_space<vmem>>, vector<16xf32>,
        tpu.vector_store %arg5[%swap3A_310, %swap3A_311], %gather3A_63 {strides = array<i32>} : memref<8x4096xf32, #tpu.memory_space<vmem>>, vector<16xf32>,
        %mul3A_313 = arith.constant 8 : i32
        %mul3A_314 = arith.muli %scan3A_252, %mul3A_313 : i32
        %add3A_315 = arith.constant 6 : i32
        %add3A_316 = arith.addi %mul3A_314, %add3A_315 : i32
        %mul3A_317 = arith.constant 16 : i32
        %mul3A_318 = arith.muli %add3A_316, %mul3A_317 : i32
        %swap3A_319 = arith.constant 2 : i32
        %swap3A_320 = arith.index_cast %swap3A_319 : i32 to index
        %swap3A_321 = arith.index_cast %mul3A_318 : i32 to index
        %swap3A_322 = tpu.vector_load %arg5[%swap3A_320, %swap3A_321] {strides = array<i32>} : memref<8x4096xf32, #tpu.memory_space<vmem>>, vector<16xf32>,
        tpu.vector_store %arg5[%swap3A_320, %swap3A_321], %gather3A_63 {strides = array<i32>} : memref<8x4096xf32, #tpu.memory_space<vmem>>, vector<16xf32>,
        %mul3A_323 = arith.constant 8 : i32
        %mul3A_324 = arith.muli %scan3A_252, %mul3A_323 : i32
        %add3A_325 = arith.constant 7 : i32
        %add3A_326 = arith.addi %mul3A_324, %add3A_325 : i32
        %mul3A_327 = arith.constant 16 : i32
        %mul3A_328 = arith.muli %add3A_326, %mul3A_327 : i32
        %swap3A_329 = arith.constant 2 : i32
        %swap3A_330 = arith.index_cast %swap3A_329 : i32 to index
        %swap3A_331 = arith.index_cast %mul3A_328 : i32 to index
        %swap3A_332 = tpu.vector_load %arg5[%swap3A_330, %swap3A_331] {strides = array<i32>} : memref<8x4096xf32, #tpu.memory_space<vmem>>, vector<16xf32>,
        tpu.vector_store %arg5[%swap3A_330, %swap3A_331], %gather3A_63 {strides = array<i32>} : memref<8x4096xf32, #tpu.memory_space<vmem>>, vector<16xf32>,
        %scan3A_333 = arith.constant 0 : i32
        scf.yield %scan3A_333 : i32
      }
      %scan3A_70 = arith.constant 32 : i32
      %mul3A_71 = arith.constant 8 : i32
      %mul3A_72 = arith.muli %add3A_29, %mul3A_71 : i32
      %add3A_73 = arith.constant 3 : i32
      %add3A_74 = arith.addi %mul3A_72, %add3A_73 : i32
      %broadcast_in_dim3A_75 = vector.broadcast %add3A_74 : i32 to vector<16xi32>
      %gather3A_76 = tpu.vector_load_idx %arg4[%broadcast_in_dim3A_75] : memref<12800xf32, #tpu.memory_space<vmem>>[vector<16xi32>], vector<16xf32>,
      %scan3A_77 = arith.constant 0 : i32
      %scan3A_78 = arith.constant 0 : i32
      %scan3A_79 = arith.constant 32 : i32
      %scan3A_80 = arith.addi %scan3A_78, %scan3A_79 : i32
      %scan3A_81 = arith.constant 1 : i32
      %scan3A_82 = scf.for %scan3A_252 = %scan3A_78 to %scan3A_80 step %scan3A_81 iter_args(%scan3A_253 = %scan3A_77) -> (i32)  : i32 {
        %mul3A_254 = arith.constant 8 : i32
        %mul3A_255 = arith.muli %scan3A_252, %mul3A_254 : i32
        %add3A_256 = arith.constant 0 : i32
        %add3A_257 = arith.addi %mul3A_255, %add3A_256 : i32
        %mul3A_258 = arith.constant 16 : i32
        %mul3A_259 = arith.muli %add3A_257, %mul3A_258 : i32
        %swap3A = arith.constant 3 : i32
        %swap3A_260 = arith.index_cast %swap3A : i32 to index
        %swap3A_261 = arith.index_cast %mul3A_259 : i32 to index
        %swap3A_262 = tpu.vector_load %arg5[%swap3A_260, %swap3A_261] {strides = array<i32>} : memref<8x4096xf32, #tpu.memory_space<vmem>>, vector<16xf32>,
        tpu.vector_store %arg5[%swap3A_260, %swap3A_261], %gather3A_76 {strides = array<i32>} : memref<8x4096xf32, #tpu.memory_space<vmem>>, vector<16xf32>,
        %mul3A_263 = arith.constant 8 : i32
        %mul3A_264 = arith.muli %scan3A_252, %mul3A_263 : i32
        %add3A_265 = arith.constant 1 : i32
        %add3A_266 = arith.addi %mul3A_264, %add3A_265 : i32
        %mul3A_267 = arith.constant 16 : i32
        %mul3A_268 = arith.muli %add3A_266, %mul3A_267 : i32
        %swap3A_269 = arith.constant 3 : i32
        %swap3A_270 = arith.index_cast %swap3A_269 : i32 to index
        %swap3A_271 = arith.index_cast %mul3A_268 : i32 to index
        %swap3A_272 = tpu.vector_load %arg5[%swap3A_270, %swap3A_271] {strides = array<i32>} : memref<8x4096xf32, #tpu.memory_space<vmem>>, vector<16xf32>,
        tpu.vector_store %arg5[%swap3A_270, %swap3A_271], %gather3A_76 {strides = array<i32>} : memref<8x4096xf32, #tpu.memory_space<vmem>>, vector<16xf32>,
        %mul3A_273 = arith.constant 8 : i32
        %mul3A_274 = arith.muli %scan3A_252, %mul3A_273 : i32
        %add3A_275 = arith.constant 2 : i32
        %add3A_276 = arith.addi %mul3A_274, %add3A_275 : i32
        %mul3A_277 = arith.constant 16 : i32
        %mul3A_278 = arith.muli %add3A_276, %mul3A_277 : i32
        %swap3A_279 = arith.constant 3 : i32
        %swap3A_280 = arith.index_cast %swap3A_279 : i32 to index
        %swap3A_281 = arith.index_cast %mul3A_278 : i32 to index
        %swap3A_282 = tpu.vector_load %arg5[%swap3A_280, %swap3A_281] {strides = array<i32>} : memref<8x4096xf32, #tpu.memory_space<vmem>>, vector<16xf32>,
        tpu.vector_store %arg5[%swap3A_280, %swap3A_281], %gather3A_76 {strides = array<i32>} : memref<8x4096xf32, #tpu.memory_space<vmem>>, vector<16xf32>,
        %mul3A_283 = arith.constant 8 : i32
        %mul3A_284 = arith.muli %scan3A_252, %mul3A_283 : i32
        %add3A_285 = arith.constant 3 : i32
        %add3A_286 = arith.addi %mul3A_284, %add3A_285 : i32
        %mul3A_287 = arith.constant 16 : i32
        %mul3A_288 = arith.muli %add3A_286, %mul3A_287 : i32
        %swap3A_289 = arith.constant 3 : i32
        %swap3A_290 = arith.index_cast %swap3A_289 : i32 to index
        %swap3A_291 = arith.index_cast %mul3A_288 : i32 to index
        %swap3A_292 = tpu.vector_load %arg5[%swap3A_290, %swap3A_291] {strides = array<i32>} : memref<8x4096xf32, #tpu.memory_space<vmem>>, vector<16xf32>,
        tpu.vector_store %arg5[%swap3A_290, %swap3A_291], %gather3A_76 {strides = array<i32>} : memref<8x4096xf32, #tpu.memory_space<vmem>>, vector<16xf32>,
        %mul3A_293 = arith.constant 8 : i32
        %mul3A_294 = arith.muli %scan3A_252, %mul3A_293 : i32
        %add3A_295 = arith.constant 4 : i32
        %add3A_296 = arith.addi %mul3A_294, %add3A_295 : i32
        %mul3A_297 = arith.constant 16 : i32
        %mul3A_298 = arith.muli %add3A_296, %mul3A_297 : i32
        %swap3A_299 = arith.constant 3 : i32
        %swap3A_300 = arith.index_cast %swap3A_299 : i32 to index
        %swap3A_301 = arith.index_cast %mul3A_298 : i32 to index
        %swap3A_302 = tpu.vector_load %arg5[%swap3A_300, %swap3A_301] {strides = array<i32>} : memref<8x4096xf32, #tpu.memory_space<vmem>>, vector<16xf32>,
        tpu.vector_store %arg5[%swap3A_300, %swap3A_301], %gather3A_76 {strides = array<i32>} : memref<8x4096xf32, #tpu.memory_space<vmem>>, vector<16xf32>,
        %mul3A_303 = arith.constant 8 : i32
        %mul3A_304 = arith.muli %scan3A_252, %mul3A_303 : i32
        %add3A_305 = arith.constant 5 : i32
        %add3A_306 = arith.addi %mul3A_304, %add3A_305 : i32
        %mul3A_307 = arith.constant 16 : i32
        %mul3A_308 = arith.muli %add3A_306, %mul3A_307 : i32
        %swap3A_309 = arith.constant 3 : i32
        %swap3A_310 = arith.index_cast %swap3A_309 : i32 to index
        %swap3A_311 = arith.index_cast %mul3A_308 : i32 to index
        %swap3A_312 = tpu.vector_load %arg5[%swap3A_310, %swap3A_311] {strides = array<i32>} : memref<8x4096xf32, #tpu.memory_space<vmem>>, vector<16xf32>,
        tpu.vector_store %arg5[%swap3A_310, %swap3A_311], %gather3A_76 {strides = array<i32>} : memref<8x4096xf32, #tpu.memory_space<vmem>>, vector<16xf32>,
        %mul3A_313 = arith.constant 8 : i32
        %mul3A_314 = arith.muli %scan3A_252, %mul3A_313 : i32
        %add3A_315 = arith.constant 6 : i32
        %add3A_316 = arith.addi %mul3A_314, %add3A_315 : i32
        %mul3A_317 = arith.constant 16 : i32
        %mul3A_318 = arith.muli %add3A_316, %mul3A_317 : i32
        %swap3A_319 = arith.constant 3 : i32
        %swap3A_320 = arith.index_cast %swap3A_319 : i32 to index
        %swap3A_321 = arith.index_cast %mul3A_318 : i32 to index
        %swap3A_322 = tpu.vector_load %arg5[%swap3A_320, %swap3A_321] {strides = array<i32>} : memref<8x4096xf32, #tpu.memory_space<vmem>>, vector<16xf32>,
        tpu.vector_store %arg5[%swap3A_320, %swap3A_321], %gather3A_76 {strides = array<i32>} : memref<8x4096xf32, #tpu.memory_space<vmem>>, vector<16xf32>,
        %mul3A_323 = arith.constant 8 : i32
        %mul3A_324 = arith.muli %scan3A_252, %mul3A_323 : i32
        %add3A_325 = arith.constant 7 : i32
        %add3A_326 = arith.addi %mul3A_324, %add3A_325 : i32
        %mul3A_327 = arith.constant 16 : i32
        %mul3A_328 = arith.muli %add3A_326, %mul3A_327 : i32
        %swap3A_329 = arith.constant 3 : i32
        %swap3A_330 = arith.index_cast %swap3A_329 : i32 to index
        %swap3A_331 = arith.index_cast %mul3A_328 : i32 to index
        %swap3A_332 = tpu.vector_load %arg5[%swap3A_330, %swap3A_331] {strides = array<i32>} : memref<8x4096xf32, #tpu.memory_space<vmem>>, vector<16xf32>,
        tpu.vector_store %arg5[%swap3A_330, %swap3A_331], %gather3A_76 {strides = array<i32>} : memref<8x4096xf32, #tpu.memory_space<vmem>>, vector<16xf32>,
        %scan3A_333 = arith.constant 0 : i32
        scf.yield %scan3A_333 : i32
      }
      %scan3A_83 = arith.constant 32 : i32
      %mul3A_84 = arith.constant 8 : i32
      %mul3A_85 = arith.muli %add3A_29, %mul3A_84 : i32
      %add3A_86 = arith.constant 4 : i32
      %add3A_87 = arith.addi %mul3A_85, %add3A_86 : i32
      %broadcast_in_dim3A_88 = vector.broadcast %add3A_87 : i32 to vector<16xi32>
      %gather3A_89 = tpu.vector_load_idx %arg4[%broadcast_in_dim3A_88] : memref<12800xf32, #tpu.memory_space<vmem>>[vector<16xi32>], vector<16xf32>,
      %scan3A_90 = arith.constant 0 : i32
      %scan3A_91 = arith.constant 0 : i32
      %scan3A_92 = arith.constant 32 : i32
      %scan3A_93 = arith.addi %scan3A_91, %scan3A_92 : i32
      %scan3A_94 = arith.constant 1 : i32
      %scan3A_95 = scf.for %scan3A_252 = %scan3A_91 to %scan3A_93 step %scan3A_94 iter_args(%scan3A_253 = %scan3A_90) -> (i32)  : i32 {
        %mul3A_254 = arith.constant 8 : i32
        %mul3A_255 = arith.muli %scan3A_252, %mul3A_254 : i32
        %add3A_256 = arith.constant 0 : i32
        %add3A_257 = arith.addi %mul3A_255, %add3A_256 : i32
        %mul3A_258 = arith.constant 16 : i32
        %mul3A_259 = arith.muli %add3A_257, %mul3A_258 : i32
        %swap3A = arith.constant 4 : i32
        %swap3A_260 = arith.index_cast %swap3A : i32 to index
        %swap3A_261 = arith.index_cast %mul3A_259 : i32 to index
        %swap3A_262 = tpu.vector_load %arg5[%swap3A_260, %swap3A_261] {strides = array<i32>} : memref<8x4096xf32, #tpu.memory_space<vmem>>, vector<16xf32>,
        tpu.vector_store %arg5[%swap3A_260, %swap3A_261], %gather3A_89 {strides = array<i32>} : memref<8x4096xf32, #tpu.memory_space<vmem>>, vector<16xf32>,
        %mul3A_263 = arith.constant 8 : i32
        %mul3A_264 = arith.muli %scan3A_252, %mul3A_263 : i32
        %add3A_265 = arith.constant 1 : i32
        %add3A_266 = arith.addi %mul3A_264, %add3A_265 : i32
        %mul3A_267 = arith.constant 16 : i32
        %mul3A_268 = arith.muli %add3A_266, %mul3A_267 : i32
        %swap3A_269 = arith.constant 4 : i32
        %swap3A_270 = arith.index_cast %swap3A_269 : i32 to index
        %swap3A_271 = arith.index_cast %mul3A_268 : i32 to index
        %swap3A_272 = tpu.vector_load %arg5[%swap3A_270, %swap3A_271] {strides = array<i32>} : memref<8x4096xf32, #tpu.memory_space<vmem>>, vector<16xf32>,
        tpu.vector_store %arg5[%swap3A_270, %swap3A_271], %gather3A_89 {strides = array<i32>} : memref<8x4096xf32, #tpu.memory_space<vmem>>, vector<16xf32>,
        %mul3A_273 = arith.constant 8 : i32
        %mul3A_274 = arith.muli %scan3A_252, %mul3A_273 : i32
        %add3A_275 = arith.constant 2 : i32
        %add3A_276 = arith.addi %mul3A_274, %add3A_275 : i32
        %mul3A_277 = arith.constant 16 : i32
        %mul3A_278 = arith.muli %add3A_276, %mul3A_277 : i32
        %swap3A_279 = arith.constant 4 : i32
        %swap3A_280 = arith.index_cast %swap3A_279 : i32 to index
        %swap3A_281 = arith.index_cast %mul3A_278 : i32 to index
        %swap3A_282 = tpu.vector_load %arg5[%swap3A_280, %swap3A_281] {strides = array<i32>} : memref<8x4096xf32, #tpu.memory_space<vmem>>, vector<16xf32>,
        tpu.vector_store %arg5[%swap3A_280, %swap3A_281], %gather3A_89 {strides = array<i32>} : memref<8x4096xf32, #tpu.memory_space<vmem>>, vector<16xf32>,
        %mul3A_283 = arith.constant 8 : i32
        %mul3A_284 = arith.muli %scan3A_252, %mul3A_283 : i32
        %add3A_285 = arith.constant 3 : i32
        %add3A_286 = arith.addi %mul3A_284, %add3A_285 : i32
        %mul3A_287 = arith.constant 16 : i32
        %mul3A_288 = arith.muli %add3A_286, %mul3A_287 : i32
        %swap3A_289 = arith.constant 4 : i32
        %swap3A_290 = arith.index_cast %swap3A_289 : i32 to index
        %swap3A_291 = arith.index_cast %mul3A_288 : i32 to index
        %swap3A_292 = tpu.vector_load %arg5[%swap3A_290, %swap3A_291] {strides = array<i32>} : memref<8x4096xf32, #tpu.memory_space<vmem>>, vector<16xf32>,
        tpu.vector_store %arg5[%swap3A_290, %swap3A_291], %gather3A_89 {strides = array<i32>} : memref<8x4096xf32, #tpu.memory_space<vmem>>, vector<16xf32>,
        %mul3A_293 = arith.constant 8 : i32
        %mul3A_294 = arith.muli %scan3A_252, %mul3A_293 : i32
        %add3A_295 = arith.constant 4 : i32
        %add3A_296 = arith.addi %mul3A_294, %add3A_295 : i32
        %mul3A_297 = arith.constant 16 : i32
        %mul3A_298 = arith.muli %add3A_296, %mul3A_297 : i32
        %swap3A_299 = arith.constant 4 : i32
        %swap3A_300 = arith.index_cast %swap3A_299 : i32 to index
        %swap3A_301 = arith.index_cast %mul3A_298 : i32 to index
        %swap3A_302 = tpu.vector_load %arg5[%swap3A_300, %swap3A_301] {strides = array<i32>} : memref<8x4096xf32, #tpu.memory_space<vmem>>, vector<16xf32>,
        tpu.vector_store %arg5[%swap3A_300, %swap3A_301], %gather3A_89 {strides = array<i32>} : memref<8x4096xf32, #tpu.memory_space<vmem>>, vector<16xf32>,
        %mul3A_303 = arith.constant 8 : i32
        %mul3A_304 = arith.muli %scan3A_252, %mul3A_303 : i32
        %add3A_305 = arith.constant 5 : i32
        %add3A_306 = arith.addi %mul3A_304, %add3A_305 : i32
        %mul3A_307 = arith.constant 16 : i32
        %mul3A_308 = arith.muli %add3A_306, %mul3A_307 : i32
        %swap3A_309 = arith.constant 4 : i32
        %swap3A_310 = arith.index_cast %swap3A_309 : i32 to index
        %swap3A_311 = arith.index_cast %mul3A_308 : i32 to index
        %swap3A_312 = tpu.vector_load %arg5[%swap3A_310, %swap3A_311] {strides = array<i32>} : memref<8x4096xf32, #tpu.memory_space<vmem>>, vector<16xf32>,
        tpu.vector_store %arg5[%swap3A_310, %swap3A_311], %gather3A_89 {strides = array<i32>} : memref<8x4096xf32, #tpu.memory_space<vmem>>, vector<16xf32>,
        %mul3A_313 = arith.constant 8 : i32
        %mul3A_314 = arith.muli %scan3A_252, %mul3A_313 : i32
        %add3A_315 = arith.constant 6 : i32
        %add3A_316 = arith.addi %mul3A_314, %add3A_315 : i32
        %mul3A_317 = arith.constant 16 : i32
        %mul3A_318 = arith.muli %add3A_316, %mul3A_317 : i32
        %swap3A_319 = arith.constant 4 : i32
        %swap3A_320 = arith.index_cast %swap3A_319 : i32 to index
        %swap3A_321 = arith.index_cast %mul3A_318 : i32 to index
        %swap3A_322 = tpu.vector_load %arg5[%swap3A_320, %swap3A_321] {strides = array<i32>} : memref<8x4096xf32, #tpu.memory_space<vmem>>, vector<16xf32>,
        tpu.vector_store %arg5[%swap3A_320, %swap3A_321], %gather3A_89 {strides = array<i32>} : memref<8x4096xf32, #tpu.memory_space<vmem>>, vector<16xf32>,
        %mul3A_323 = arith.constant 8 : i32
        %mul3A_324 = arith.muli %scan3A_252, %mul3A_323 : i32
        %add3A_325 = arith.constant 7 : i32
        %add3A_326 = arith.addi %mul3A_324, %add3A_325 : i32
        %mul3A_327 = arith.constant 16 : i32
        %mul3A_328 = arith.muli %add3A_326, %mul3A_327 : i32
        %swap3A_329 = arith.constant 4 : i32
        %swap3A_330 = arith.index_cast %swap3A_329 : i32 to index
        %swap3A_331 = arith.index_cast %mul3A_328 : i32 to index
        %swap3A_332 = tpu.vector_load %arg5[%swap3A_330, %swap3A_331] {strides = array<i32>} : memref<8x4096xf32, #tpu.memory_space<vmem>>, vector<16xf32>,
        tpu.vector_store %arg5[%swap3A_330, %swap3A_331], %gather3A_89 {strides = array<i32>} : memref<8x4096xf32, #tpu.memory_space<vmem>>, vector<16xf32>,
        %scan3A_333 = arith.constant 0 : i32
        scf.yield %scan3A_333 : i32
      }
      %scan3A_96 = arith.constant 32 : i32
      %mul3A_97 = arith.constant 8 : i32
      %mul3A_98 = arith.muli %add3A_29, %mul3A_97 : i32
      %add3A_99 = arith.constant 5 : i32
      %add3A_100 = arith.addi %mul3A_98, %add3A_99 : i32
      %broadcast_in_dim3A_101 = vector.broadcast %add3A_100 : i32 to vector<16xi32>
      %gather3A_102 = tpu.vector_load_idx %arg4[%broadcast_in_dim3A_101] : memref<12800xf32, #tpu.memory_space<vmem>>[vector<16xi32>], vector<16xf32>,
      %scan3A_103 = arith.constant 0 : i32
      %scan3A_104 = arith.constant 0 : i32
      %scan3A_105 = arith.constant 32 : i32
      %scan3A_106 = arith.addi %scan3A_104, %scan3A_105 : i32
      %scan3A_107 = arith.constant 1 : i32
      %scan3A_108 = scf.for %scan3A_252 = %scan3A_104 to %scan3A_106 step %scan3A_107 iter_args(%scan3A_253 = %scan3A_103) -> (i32)  : i32 {
        %mul3A_254 = arith.constant 8 : i32
        %mul3A_255 = arith.muli %scan3A_252, %mul3A_254 : i32
        %add3A_256 = arith.constant 0 : i32
        %add3A_257 = arith.addi %mul3A_255, %add3A_256 : i32
        %mul3A_258 = arith.constant 16 : i32
        %mul3A_259 = arith.muli %add3A_257, %mul3A_258 : i32
        %swap3A = arith.constant 5 : i32
        %swap3A_260 = arith.index_cast %swap3A : i32 to index
        %swap3A_261 = arith.index_cast %mul3A_259 : i32 to index
        %swap3A_262 = tpu.vector_load %arg5[%swap3A_260, %swap3A_261] {strides = array<i32>} : memref<8x4096xf32, #tpu.memory_space<vmem>>, vector<16xf32>,
        tpu.vector_store %arg5[%swap3A_260, %swap3A_261], %gather3A_102 {strides = array<i32>} : memref<8x4096xf32, #tpu.memory_space<vmem>>, vector<16xf32>,
        %mul3A_263 = arith.constant 8 : i32
        %mul3A_264 = arith.muli %scan3A_252, %mul3A_263 : i32
        %add3A_265 = arith.constant 1 : i32
        %add3A_266 = arith.addi %mul3A_264, %add3A_265 : i32
        %mul3A_267 = arith.constant 16 : i32
        %mul3A_268 = arith.muli %add3A_266, %mul3A_267 : i32
        %swap3A_269 = arith.constant 5 : i32
        %swap3A_270 = arith.index_cast %swap3A_269 : i32 to index
        %swap3A_271 = arith.index_cast %mul3A_268 : i32 to index
        %swap3A_272 = tpu.vector_load %arg5[%swap3A_270, %swap3A_271] {strides = array<i32>} : memref<8x4096xf32, #tpu.memory_space<vmem>>, vector<16xf32>,
        tpu.vector_store %arg5[%swap3A_270, %swap3A_271], %gather3A_102 {strides = array<i32>} : memref<8x4096xf32, #tpu.memory_space<vmem>>, vector<16xf32>,
        %mul3A_273 = arith.constant 8 : i32
        %mul3A_274 = arith.muli %scan3A_252, %mul3A_273 : i32
        %add3A_275 = arith.constant 2 : i32
        %add3A_276 = arith.addi %mul3A_274, %add3A_275 : i32
        %mul3A_277 = arith.constant 16 : i32
        %mul3A_278 = arith.muli %add3A_276, %mul3A_277 : i32
        %swap3A_279 = arith.constant 5 : i32
        %swap3A_280 = arith.index_cast %swap3A_279 : i32 to index
        %swap3A_281 = arith.index_cast %mul3A_278 : i32 to index
        %swap3A_282 = tpu.vector_load %arg5[%swap3A_280, %swap3A_281] {strides = array<i32>} : memref<8x4096xf32, #tpu.memory_space<vmem>>, vector<16xf32>,
        tpu.vector_store %arg5[%swap3A_280, %swap3A_281], %gather3A_102 {strides = array<i32>} : memref<8x4096xf32, #tpu.memory_space<vmem>>, vector<16xf32>,
        %mul3A_283 = arith.constant 8 : i32
        %mul3A_284 = arith.muli %scan3A_252, %mul3A_283 : i32
        %add3A_285 = arith.constant 3 : i32
        %add3A_286 = arith.addi %mul3A_284, %add3A_285 : i32
        %mul3A_287 = arith.constant 16 : i32
        %mul3A_288 = arith.muli %add3A_286, %mul3A_287 : i32
        %swap3A_289 = arith.constant 5 : i32
        %swap3A_290 = arith.index_cast %swap3A_289 : i32 to index
        %swap3A_291 = arith.index_cast %mul3A_288 : i32 to index
        %swap3A_292 = tpu.vector_load %arg5[%swap3A_290, %swap3A_291] {strides = array<i32>} : memref<8x4096xf32, #tpu.memory_space<vmem>>, vector<16xf32>,
        tpu.vector_store %arg5[%swap3A_290, %swap3A_291], %gather3A_102 {strides = array<i32>} : memref<8x4096xf32, #tpu.memory_space<vmem>>, vector<16xf32>,
        %mul3A_293 = arith.constant 8 : i32
        %mul3A_294 = arith.muli %scan3A_252, %mul3A_293 : i32
        %add3A_295 = arith.constant 4 : i32
        %add3A_296 = arith.addi %mul3A_294, %add3A_295 : i32
        %mul3A_297 = arith.constant 16 : i32
        %mul3A_298 = arith.muli %add3A_296, %mul3A_297 : i32
        %swap3A_299 = arith.constant 5 : i32
        %swap3A_300 = arith.index_cast %swap3A_299 : i32 to index
        %swap3A_301 = arith.index_cast %mul3A_298 : i32 to index
        %swap3A_302 = tpu.vector_load %arg5[%swap3A_300, %swap3A_301] {strides = array<i32>} : memref<8x4096xf32, #tpu.memory_space<vmem>>, vector<16xf32>,
        tpu.vector_store %arg5[%swap3A_300, %swap3A_301], %gather3A_102 {strides = array<i32>} : memref<8x4096xf32, #tpu.memory_space<vmem>>, vector<16xf32>,
        %mul3A_303 = arith.constant 8 : i32
        %mul3A_304 = arith.muli %scan3A_252, %mul3A_303 : i32
        %add3A_305 = arith.constant 5 : i32
        %add3A_306 = arith.addi %mul3A_304, %add3A_305 : i32
        %mul3A_307 = arith.constant 16 : i32
        %mul3A_308 = arith.muli %add3A_306, %mul3A_307 : i32
        %swap3A_309 = arith.constant 5 : i32
        %swap3A_310 = arith.index_cast %swap3A_309 : i32 to index
        %swap3A_311 = arith.index_cast %mul3A_308 : i32 to index
        %swap3A_312 = tpu.vector_load %arg5[%swap3A_310, %swap3A_311] {strides = array<i32>} : memref<8x4096xf32, #tpu.memory_space<vmem>>, vector<16xf32>,
        tpu.vector_store %arg5[%swap3A_310, %swap3A_311], %gather3A_102 {strides = array<i32>} : memref<8x4096xf32, #tpu.memory_space<vmem>>, vector<16xf32>,
        %mul3A_313 = arith.constant 8 : i32
        %mul3A_314 = arith.muli %scan3A_252, %mul3A_313 : i32
        %add3A_315 = arith.constant 6 : i32
        %add3A_316 = arith.addi %mul3A_314, %add3A_315 : i32
        %mul3A_317 = arith.constant 16 : i32
        %mul3A_318 = arith.muli %add3A_316, %mul3A_317 : i32
        %swap3A_319 = arith.constant 5 : i32
        %swap3A_320 = arith.index_cast %swap3A_319 : i32 to index
        %swap3A_321 = arith.index_cast %mul3A_318 : i32 to index
        %swap3A_322 = tpu.vector_load %arg5[%swap3A_320, %swap3A_321] {strides = array<i32>} : memref<8x4096xf32, #tpu.memory_space<vmem>>, vector<16xf32>,
        tpu.vector_store %arg5[%swap3A_320, %swap3A_321], %gather3A_102 {strides = array<i32>} : memref<8x4096xf32, #tpu.memory_space<vmem>>, vector<16xf32>,
        %mul3A_323 = arith.constant 8 : i32
        %mul3A_324 = arith.muli %scan3A_252, %mul3A_323 : i32
        %add3A_325 = arith.constant 7 : i32
        %add3A_326 = arith.addi %mul3A_324, %add3A_325 : i32
        %mul3A_327 = arith.constant 16 : i32
        %mul3A_328 = arith.muli %add3A_326, %mul3A_327 : i32
        %swap3A_329 = arith.constant 5 : i32
        %swap3A_330 = arith.index_cast %swap3A_329 : i32 to index
        %swap3A_331 = arith.index_cast %mul3A_328 : i32 to index
        %swap3A_332 = tpu.vector_load %arg5[%swap3A_330, %swap3A_331] {strides = array<i32>} : memref<8x4096xf32, #tpu.memory_space<vmem>>, vector<16xf32>,
        tpu.vector_store %arg5[%swap3A_330, %swap3A_331], %gather3A_102 {strides = array<i32>} : memref<8x4096xf32, #tpu.memory_space<vmem>>, vector<16xf32>,
        %scan3A_333 = arith.constant 0 : i32
        scf.yield %scan3A_333 : i32
      }
      %scan3A_109 = arith.constant 32 : i32
      %mul3A_110 = arith.constant 8 : i32
      %mul3A_111 = arith.muli %add3A_29, %mul3A_110 : i32
      %add3A_112 = arith.constant 6 : i32
      %add3A_113 = arith.addi %mul3A_111, %add3A_112 : i32
      %broadcast_in_dim3A_114 = vector.broadcast %add3A_113 : i32 to vector<16xi32>
      %gather3A_115 = tpu.vector_load_idx %arg4[%broadcast_in_dim3A_114] : memref<12800xf32, #tpu.memory_space<vmem>>[vector<16xi32>], vector<16xf32>,
      %scan3A_116 = arith.constant 0 : i32
      %scan3A_117 = arith.constant 0 : i32
      %scan3A_118 = arith.constant 32 : i32
      %scan3A_119 = arith.addi %scan3A_117, %scan3A_118 : i32
      %scan3A_120 = arith.constant 1 : i32
      %scan3A_121 = scf.for %scan3A_252 = %scan3A_117 to %scan3A_119 step %scan3A_120 iter_args(%scan3A_253 = %scan3A_116) -> (i32)  : i32 {
        %mul3A_254 = arith.constant 8 : i32
        %mul3A_255 = arith.muli %scan3A_252, %mul3A_254 : i32
        %add3A_256 = arith.constant 0 : i32
        %add3A_257 = arith.addi %mul3A_255, %add3A_256 : i32
        %mul3A_258 = arith.constant 16 : i32
        %mul3A_259 = arith.muli %add3A_257, %mul3A_258 : i32
        %swap3A = arith.constant 6 : i32
        %swap3A_260 = arith.index_cast %swap3A : i32 to index
        %swap3A_261 = arith.index_cast %mul3A_259 : i32 to index
        %swap3A_262 = tpu.vector_load %arg5[%swap3A_260, %swap3A_261] {strides = array<i32>} : memref<8x4096xf32, #tpu.memory_space<vmem>>, vector<16xf32>,
        tpu.vector_store %arg5[%swap3A_260, %swap3A_261], %gather3A_115 {strides = array<i32>} : memref<8x4096xf32, #tpu.memory_space<vmem>>, vector<16xf32>,
        %mul3A_263 = arith.constant 8 : i32
        %mul3A_264 = arith.muli %scan3A_252, %mul3A_263 : i32
        %add3A_265 = arith.constant 1 : i32
        %add3A_266 = arith.addi %mul3A_264, %add3A_265 : i32
        %mul3A_267 = arith.constant 16 : i32
        %mul3A_268 = arith.muli %add3A_266, %mul3A_267 : i32
        %swap3A_269 = arith.constant 6 : i32
        %swap3A_270 = arith.index_cast %swap3A_269 : i32 to index
        %swap3A_271 = arith.index_cast %mul3A_268 : i32 to index
        %swap3A_272 = tpu.vector_load %arg5[%swap3A_270, %swap3A_271] {strides = array<i32>} : memref<8x4096xf32, #tpu.memory_space<vmem>>, vector<16xf32>,
        tpu.vector_store %arg5[%swap3A_270, %swap3A_271], %gather3A_115 {strides = array<i32>} : memref<8x4096xf32, #tpu.memory_space<vmem>>, vector<16xf32>,
        %mul3A_273 = arith.constant 8 : i32
        %mul3A_274 = arith.muli %scan3A_252, %mul3A_273 : i32
        %add3A_275 = arith.constant 2 : i32
        %add3A_276 = arith.addi %mul3A_274, %add3A_275 : i32
        %mul3A_277 = arith.constant 16 : i32
        %mul3A_278 = arith.muli %add3A_276, %mul3A_277 : i32
        %swap3A_279 = arith.constant 6 : i32
        %swap3A_280 = arith.index_cast %swap3A_279 : i32 to index
        %swap3A_281 = arith.index_cast %mul3A_278 : i32 to index
        %swap3A_282 = tpu.vector_load %arg5[%swap3A_280, %swap3A_281] {strides = array<i32>} : memref<8x4096xf32, #tpu.memory_space<vmem>>, vector<16xf32>,
        tpu.vector_store %arg5[%swap3A_280, %swap3A_281], %gather3A_115 {strides = array<i32>} : memref<8x4096xf32, #tpu.memory_space<vmem>>, vector<16xf32>,
        %mul3A_283 = arith.constant 8 : i32
        %mul3A_284 = arith.muli %scan3A_252, %mul3A_283 : i32
        %add3A_285 = arith.constant 3 : i32
        %add3A_286 = arith.addi %mul3A_284, %add3A_285 : i32
        %mul3A_287 = arith.constant 16 : i32
        %mul3A_288 = arith.muli %add3A_286, %mul3A_287 : i32
        %swap3A_289 = arith.constant 6 : i32
        %swap3A_290 = arith.index_cast %swap3A_289 : i32 to index
        %swap3A_291 = arith.index_cast %mul3A_288 : i32 to index
        %swap3A_292 = tpu.vector_load %arg5[%swap3A_290, %swap3A_291] {strides = array<i32>} : memref<8x4096xf32, #tpu.memory_space<vmem>>, vector<16xf32>,
        tpu.vector_store %arg5[%swap3A_290, %swap3A_291], %gather3A_115 {strides = array<i32>} : memref<8x4096xf32, #tpu.memory_space<vmem>>, vector<16xf32>,
        %mul3A_293 = arith.constant 8 : i32
        %mul3A_294 = arith.muli %scan3A_252, %mul3A_293 : i32
        %add3A_295 = arith.constant 4 : i32
        %add3A_296 = arith.addi %mul3A_294, %add3A_295 : i32
        %mul3A_297 = arith.constant 16 : i32
        %mul3A_298 = arith.muli %add3A_296, %mul3A_297 : i32
        %swap3A_299 = arith.constant 6 : i32
        %swap3A_300 = arith.index_cast %swap3A_299 : i32 to index
        %swap3A_301 = arith.index_cast %mul3A_298 : i32 to index
        %swap3A_302 = tpu.vector_load %arg5[%swap3A_300, %swap3A_301] {strides = array<i32>} : memref<8x4096xf32, #tpu.memory_space<vmem>>, vector<16xf32>,
        tpu.vector_store %arg5[%swap3A_300, %swap3A_301], %gather3A_115 {strides = array<i32>} : memref<8x4096xf32, #tpu.memory_space<vmem>>, vector<16xf32>,
        %mul3A_303 = arith.constant 8 : i32
        %mul3A_304 = arith.muli %scan3A_252, %mul3A_303 : i32
        %add3A_305 = arith.constant 5 : i32
        %add3A_306 = arith.addi %mul3A_304, %add3A_305 : i32
        %mul3A_307 = arith.constant 16 : i32
        %mul3A_308 = arith.muli %add3A_306, %mul3A_307 : i32
        %swap3A_309 = arith.constant 6 : i32
        %swap3A_310 = arith.index_cast %swap3A_309 : i32 to index
        %swap3A_311 = arith.index_cast %mul3A_308 : i32 to index
        %swap3A_312 = tpu.vector_load %arg5[%swap3A_310, %swap3A_311] {strides = array<i32>} : memref<8x4096xf32, #tpu.memory_space<vmem>>, vector<16xf32>,
        tpu.vector_store %arg5[%swap3A_310, %swap3A_311], %gather3A_115 {strides = array<i32>} : memref<8x4096xf32, #tpu.memory_space<vmem>>, vector<16xf32>,
        %mul3A_313 = arith.constant 8 : i32
        %mul3A_314 = arith.muli %scan3A_252, %mul3A_313 : i32
        %add3A_315 = arith.constant 6 : i32
        %add3A_316 = arith.addi %mul3A_314, %add3A_315 : i32
        %mul3A_317 = arith.constant 16 : i32
        %mul3A_318 = arith.muli %add3A_316, %mul3A_317 : i32
        %swap3A_319 = arith.constant 6 : i32
        %swap3A_320 = arith.index_cast %swap3A_319 : i32 to index
        %swap3A_321 = arith.index_cast %mul3A_318 : i32 to index
        %swap3A_322 = tpu.vector_load %arg5[%swap3A_320, %swap3A_321] {strides = array<i32>} : memref<8x4096xf32, #tpu.memory_space<vmem>>, vector<16xf32>,
        tpu.vector_store %arg5[%swap3A_320, %swap3A_321], %gather3A_115 {strides = array<i32>} : memref<8x4096xf32, #tpu.memory_space<vmem>>, vector<16xf32>,
        %mul3A_323 = arith.constant 8 : i32
        %mul3A_324 = arith.muli %scan3A_252, %mul3A_323 : i32
        %add3A_325 = arith.constant 7 : i32
        %add3A_326 = arith.addi %mul3A_324, %add3A_325 : i32
        %mul3A_327 = arith.constant 16 : i32
        %mul3A_328 = arith.muli %add3A_326, %mul3A_327 : i32
        %swap3A_329 = arith.constant 6 : i32
        %swap3A_330 = arith.index_cast %swap3A_329 : i32 to index
        %swap3A_331 = arith.index_cast %mul3A_328 : i32 to index
        %swap3A_332 = tpu.vector_load %arg5[%swap3A_330, %swap3A_331] {strides = array<i32>} : memref<8x4096xf32, #tpu.memory_space<vmem>>, vector<16xf32>,
        tpu.vector_store %arg5[%swap3A_330, %swap3A_331], %gather3A_115 {strides = array<i32>} : memref<8x4096xf32, #tpu.memory_space<vmem>>, vector<16xf32>,
        %scan3A_333 = arith.constant 0 : i32
        scf.yield %scan3A_333 : i32
      }
      %scan3A_122 = arith.constant 32 : i32
      %mul3A_123 = arith.constant 8 : i32
      %mul3A_124 = arith.muli %add3A_29, %mul3A_123 : i32
      %add3A_125 = arith.constant 7 : i32
      %add3A_126 = arith.addi %mul3A_124, %add3A_125 : i32
      %broadcast_in_dim3A_127 = vector.broadcast %add3A_126 : i32 to vector<16xi32>
      %gather3A_128 = tpu.vector_load_idx %arg4[%broadcast_in_dim3A_127] : memref<12800xf32, #tpu.memory_space<vmem>>[vector<16xi32>], vector<16xf32>,
      %scan3A_129 = arith.constant 0 : i32
      %scan3A_130 = arith.constant 0 : i32
      %scan3A_131 = arith.constant 32 : i32
      %scan3A_132 = arith.addi %scan3A_130, %scan3A_131 : i32
      %scan3A_133 = arith.constant 1 : i32
      %scan3A_134 = scf.for %scan3A_252 = %scan3A_130 to %scan3A_132 step %scan3A_133 iter_args(%scan3A_253 = %scan3A_129) -> (i32)  : i32 {
        %mul3A_254 = arith.constant 8 : i32
        %mul3A_255 = arith.muli %scan3A_252, %mul3A_254 : i32
        %add3A_256 = arith.constant 0 : i32
        %add3A_257 = arith.addi %mul3A_255, %add3A_256 : i32
        %mul3A_258 = arith.constant 16 : i32
        %mul3A_259 = arith.muli %add3A_257, %mul3A_258 : i32
        %swap3A = arith.constant 7 : i32
        %swap3A_260 = arith.index_cast %swap3A : i32 to index
        %swap3A_261 = arith.index_cast %mul3A_259 : i32 to index
        %swap3A_262 = tpu.vector_load %arg5[%swap3A_260, %swap3A_261] {strides = array<i32>} : memref<8x4096xf32, #tpu.memory_space<vmem>>, vector<16xf32>,
        tpu.vector_store %arg5[%swap3A_260, %swap3A_261], %gather3A_128 {strides = array<i32>} : memref<8x4096xf32, #tpu.memory_space<vmem>>, vector<16xf32>,
        %mul3A_263 = arith.constant 8 : i32
        %mul3A_264 = arith.muli %scan3A_252, %mul3A_263 : i32
        %add3A_265 = arith.constant 1 : i32
        %add3A_266 = arith.addi %mul3A_264, %add3A_265 : i32
        %mul3A_267 = arith.constant 16 : i32
        %mul3A_268 = arith.muli %add3A_266, %mul3A_267 : i32
        %swap3A_269 = arith.constant 7 : i32
        %swap3A_270 = arith.index_cast %swap3A_269 : i32 to index
        %swap3A_271 = arith.index_cast %mul3A_268 : i32 to index
        %swap3A_272 = tpu.vector_load %arg5[%swap3A_270, %swap3A_271] {strides = array<i32>} : memref<8x4096xf32, #tpu.memory_space<vmem>>, vector<16xf32>,
        tpu.vector_store %arg5[%swap3A_270, %swap3A_271], %gather3A_128 {strides = array<i32>} : memref<8x4096xf32, #tpu.memory_space<vmem>>, vector<16xf32>,
        %mul3A_273 = arith.constant 8 : i32
        %mul3A_274 = arith.muli %scan3A_252, %mul3A_273 : i32
        %add3A_275 = arith.constant 2 : i32
        %add3A_276 = arith.addi %mul3A_274, %add3A_275 : i32
        %mul3A_277 = arith.constant 16 : i32
        %mul3A_278 = arith.muli %add3A_276, %mul3A_277 : i32
        %swap3A_279 = arith.constant 7 : i32
        %swap3A_280 = arith.index_cast %swap3A_279 : i32 to index
        %swap3A_281 = arith.index_cast %mul3A_278 : i32 to index
        %swap3A_282 = tpu.vector_load %arg5[%swap3A_280, %swap3A_281] {strides = array<i32>} : memref<8x4096xf32, #tpu.memory_space<vmem>>, vector<16xf32>,
        tpu.vector_store %arg5[%swap3A_280, %swap3A_281], %gather3A_128 {strides = array<i32>} : memref<8x4096xf32, #tpu.memory_space<vmem>>, vector<16xf32>,
        %mul3A_283 = arith.constant 8 : i32
        %mul3A_284 = arith.muli %scan3A_252, %mul3A_283 : i32
        %add3A_285 = arith.constant 3 : i32
        %add3A_286 = arith.addi %mul3A_284, %add3A_285 : i32
        %mul3A_287 = arith.constant 16 : i32
        %mul3A_288 = arith.muli %add3A_286, %mul3A_287 : i32
        %swap3A_289 = arith.constant 7 : i32
        %swap3A_290 = arith.index_cast %swap3A_289 : i32 to index
        %swap3A_291 = arith.index_cast %mul3A_288 : i32 to index
        %swap3A_292 = tpu.vector_load %arg5[%swap3A_290, %swap3A_291] {strides = array<i32>} : memref<8x4096xf32, #tpu.memory_space<vmem>>, vector<16xf32>,
        tpu.vector_store %arg5[%swap3A_290, %swap3A_291], %gather3A_128 {strides = array<i32>} : memref<8x4096xf32, #tpu.memory_space<vmem>>, vector<16xf32>,
        %mul3A_293 = arith.constant 8 : i32
        %mul3A_294 = arith.muli %scan3A_252, %mul3A_293 : i32
        %add3A_295 = arith.constant 4 : i32
        %add3A_296 = arith.addi %mul3A_294, %add3A_295 : i32
        %mul3A_297 = arith.constant 16 : i32
        %mul3A_298 = arith.muli %add3A_296, %mul3A_297 : i32
        %swap3A_299 = arith.constant 7 : i32
        %swap3A_300 = arith.index_cast %swap3A_299 : i32 to index
        %swap3A_301 = arith.index_cast %mul3A_298 : i32 to index
        %swap3A_302 = tpu.vector_load %arg5[%swap3A_300, %swap3A_301] {strides = array<i32>} : memref<8x4096xf32, #tpu.memory_space<vmem>>, vector<16xf32>,
        tpu.vector_store %arg5[%swap3A_300, %swap3A_301], %gather3A_128 {strides = array<i32>} : memref<8x4096xf32, #tpu.memory_space<vmem>>, vector<16xf32>,
        %mul3A_303 = arith.constant 8 : i32
        %mul3A_304 = arith.muli %scan3A_252, %mul3A_303 : i32
        %add3A_305 = arith.constant 5 : i32
        %add3A_306 = arith.addi %mul3A_304, %add3A_305 : i32
        %mul3A_307 = arith.constant 16 : i32
        %mul3A_308 = arith.muli %add3A_306, %mul3A_307 : i32
        %swap3A_309 = arith.constant 7 : i32
        %swap3A_310 = arith.index_cast %swap3A_309 : i32 to index
        %swap3A_311 = arith.index_cast %mul3A_308 : i32 to index
        %swap3A_312 = tpu.vector_load %arg5[%swap3A_310, %swap3A_311] {strides = array<i32>} : memref<8x4096xf32, #tpu.memory_space<vmem>>, vector<16xf32>,
        tpu.vector_store %arg5[%swap3A_310, %swap3A_311], %gather3A_128 {strides = array<i32>} : memref<8x4096xf32, #tpu.memory_space<vmem>>, vector<16xf32>,
        %mul3A_313 = arith.constant 8 : i32
        %mul3A_314 = arith.muli %scan3A_252, %mul3A_313 : i32
        %add3A_315 = arith.constant 6 : i32
        %add3A_316 = arith.addi %mul3A_314, %add3A_315 : i32
        %mul3A_317 = arith.constant 16 : i32
        %mul3A_318 = arith.muli %add3A_316, %mul3A_317 : i32
        %swap3A_319 = arith.constant 7 : i32
        %swap3A_320 = arith.index_cast %swap3A_319 : i32 to index
        %swap3A_321 = arith.index_cast %mul3A_318 : i32 to index
        %swap3A_322 = tpu.vector_load %arg5[%swap3A_320, %swap3A_321] {strides = array<i32>} : memref<8x4096xf32, #tpu.memory_space<vmem>>, vector<16xf32>,
        tpu.vector_store %arg5[%swap3A_320, %swap3A_321], %gather3A_128 {strides = array<i32>} : memref<8x4096xf32, #tpu.memory_space<vmem>>, vector<16xf32>,
        %mul3A_323 = arith.constant 8 : i32
        %mul3A_324 = arith.muli %scan3A_252, %mul3A_323 : i32
        %add3A_325 = arith.constant 7 : i32
        %add3A_326 = arith.addi %mul3A_324, %add3A_325 : i32
        %mul3A_327 = arith.constant 16 : i32
        %mul3A_328 = arith.muli %add3A_326, %mul3A_327 : i32
        %swap3A_329 = arith.constant 7 : i32
        %swap3A_330 = arith.index_cast %swap3A_329 : i32 to index
        %swap3A_331 = arith.index_cast %mul3A_328 : i32 to index
        %swap3A_332 = tpu.vector_load %arg5[%swap3A_330, %swap3A_331] {strides = array<i32>} : memref<8x4096xf32, #tpu.memory_space<vmem>>, vector<16xf32>,
        tpu.vector_store %arg5[%swap3A_330, %swap3A_331], %gather3A_128 {strides = array<i32>} : memref<8x4096xf32, #tpu.memory_space<vmem>>, vector<16xf32>,
        %scan3A_333 = arith.constant 0 : i32
        scf.yield %scan3A_333 : i32
      }
      %scan3A_135 = arith.constant 32 : i32
      %mul3A_136 = arith.constant 8 : i32
      %mul3A_137 = arith.muli %add3A_29, %mul3A_136 : i32
      %dma_start3A = arith.constant 0 : i32
      %dma_start3A_138 = tpu.memref_slice %arg3[%mul3A_137, %dma_start3A] : memref<12800x4096xf32, #tpu.memory_space<hbm>> -> memref<8x4096xf32, #tpu.memory_space<hbm>>
      %dma_start3A_139 = arith.constant 0 : i32
      %dma_start3A_140 = tpu.memref_slice %arg3[%mul3A_137, %dma_start3A_139] : memref<12800x4096xf32, #tpu.memory_space<hbm>> -> memref<8x4096xf32, #tpu.memory_space<hbm>>
      tpu.enqueue_dma source(%arg5 : memref<8x4096xf32, #tpu.memory_space<vmem>>) target(%dma_start3A_140 : memref<8x4096xf32, #tpu.memory_space<hbm>>) target_semaphore(%arg7 : memref<!tpu.dma_semaphore, #tpu.memory_space<semaphore_mem>>)
      %mul3A_141 = arith.constant 8 : i32
      %mul3A_142 = arith.muli %add3A_31, %mul3A_141 : i32
      %add3A_143 = arith.constant 0 : i32
      %add3A_144 = arith.addi %mul3A_142, %add3A_143 : i32
      %broadcast_in_dim3A_145 = vector.broadcast %add3A_144 : i32 to vector<16xi32>
      %gather3A_146 = tpu.vector_load_idx %arg4[%broadcast_in_dim3A_145] : memref<12800xf32, #tpu.memory_space<vmem>>[vector<16xi32>], vector<16xf32>,
      %scan3A_147 = arith.constant 0 : i32
      %scan3A_148 = arith.constant 0 : i32
      %scan3A_149 = arith.constant 32 : i32
      %scan3A_150 = arith.addi %scan3A_148, %scan3A_149 : i32
      %scan3A_151 = arith.constant 1 : i32
      %scan3A_152 = scf.for %scan3A_252 = %scan3A_148 to %scan3A_150 step %scan3A_151 iter_args(%scan3A_253 = %scan3A_147) -> (i32)  : i32 {
        %mul3A_254 = arith.constant 8 : i32
        %mul3A_255 = arith.muli %scan3A_252, %mul3A_254 : i32
        %add3A_256 = arith.constant 0 : i32
        %add3A_257 = arith.addi %mul3A_255, %add3A_256 : i32
        %mul3A_258 = arith.constant 16 : i32
        %mul3A_259 = arith.muli %add3A_257, %mul3A_258 : i32
        %swap3A = arith.constant 0 : i32
        %swap3A_260 = arith.index_cast %swap3A : i32 to index
        %swap3A_261 = arith.index_cast %mul3A_259 : i32 to index
        %swap3A_262 = tpu.vector_load %arg6[%swap3A_260, %swap3A_261] {strides = array<i32>} : memref<8x4096xf32, #tpu.memory_space<vmem>>, vector<16xf32>,
        tpu.vector_store %arg6[%swap3A_260, %swap3A_261], %gather3A_146 {strides = array<i32>} : memref<8x4096xf32, #tpu.memory_space<vmem>>, vector<16xf32>,
        %mul3A_263 = arith.constant 8 : i32
        %mul3A_264 = arith.muli %scan3A_252, %mul3A_263 : i32
        %add3A_265 = arith.constant 1 : i32
        %add3A_266 = arith.addi %mul3A_264, %add3A_265 : i32
        %mul3A_267 = arith.constant 16 : i32
        %mul3A_268 = arith.muli %add3A_266, %mul3A_267 : i32
        %swap3A_269 = arith.constant 0 : i32
        %swap3A_270 = arith.index_cast %swap3A_269 : i32 to index
        %swap3A_271 = arith.index_cast %mul3A_268 : i32 to index
        %swap3A_272 = tpu.vector_load %arg6[%swap3A_270, %swap3A_271] {strides = array<i32>} : memref<8x4096xf32, #tpu.memory_space<vmem>>, vector<16xf32>,
        tpu.vector_store %arg6[%swap3A_270, %swap3A_271], %gather3A_146 {strides = array<i32>} : memref<8x4096xf32, #tpu.memory_space<vmem>>, vector<16xf32>,
        %mul3A_273 = arith.constant 8 : i32
        %mul3A_274 = arith.muli %scan3A_252, %mul3A_273 : i32
        %add3A_275 = arith.constant 2 : i32
        %add3A_276 = arith.addi %mul3A_274, %add3A_275 : i32
        %mul3A_277 = arith.constant 16 : i32
        %mul3A_278 = arith.muli %add3A_276, %mul3A_277 : i32
        %swap3A_279 = arith.constant 0 : i32
        %swap3A_280 = arith.index_cast %swap3A_279 : i32 to index
        %swap3A_281 = arith.index_cast %mul3A_278 : i32 to index
        %swap3A_282 = tpu.vector_load %arg6[%swap3A_280, %swap3A_281] {strides = array<i32>} : memref<8x4096xf32, #tpu.memory_space<vmem>>, vector<16xf32>,
        tpu.vector_store %arg6[%swap3A_280, %swap3A_281], %gather3A_146 {strides = array<i32>} : memref<8x4096xf32, #tpu.memory_space<vmem>>, vector<16xf32>,
        %mul3A_283 = arith.constant 8 : i32
        %mul3A_284 = arith.muli %scan3A_252, %mul3A_283 : i32
        %add3A_285 = arith.constant 3 : i32
        %add3A_286 = arith.addi %mul3A_284, %add3A_285 : i32
        %mul3A_287 = arith.constant 16 : i32
        %mul3A_288 = arith.muli %add3A_286, %mul3A_287 : i32
        %swap3A_289 = arith.constant 0 : i32
        %swap3A_290 = arith.index_cast %swap3A_289 : i32 to index
        %swap3A_291 = arith.index_cast %mul3A_288 : i32 to index
        %swap3A_292 = tpu.vector_load %arg6[%swap3A_290, %swap3A_291] {strides = array<i32>} : memref<8x4096xf32, #tpu.memory_space<vmem>>, vector<16xf32>,
        tpu.vector_store %arg6[%swap3A_290, %swap3A_291], %gather3A_146 {strides = array<i32>} : memref<8x4096xf32, #tpu.memory_space<vmem>>, vector<16xf32>,
        %mul3A_293 = arith.constant 8 : i32
        %mul3A_294 = arith.muli %scan3A_252, %mul3A_293 : i32
        %add3A_295 = arith.constant 4 : i32
        %add3A_296 = arith.addi %mul3A_294, %add3A_295 : i32
        %mul3A_297 = arith.constant 16 : i32
        %mul3A_298 = arith.muli %add3A_296, %mul3A_297 : i32
        %swap3A_299 = arith.constant 0 : i32
        %swap3A_300 = arith.index_cast %swap3A_299 : i32 to index
        %swap3A_301 = arith.index_cast %mul3A_298 : i32 to index
        %swap3A_302 = tpu.vector_load %arg6[%swap3A_300, %swap3A_301] {strides = array<i32>} : memref<8x4096xf32, #tpu.memory_space<vmem>>, vector<16xf32>,
        tpu.vector_store %arg6[%swap3A_300, %swap3A_301], %gather3A_146 {strides = array<i32>} : memref<8x4096xf32, #tpu.memory_space<vmem>>, vector<16xf32>,
        %mul3A_303 = arith.constant 8 : i32
        %mul3A_304 = arith.muli %scan3A_252, %mul3A_303 : i32
        %add3A_305 = arith.constant 5 : i32
        %add3A_306 = arith.addi %mul3A_304, %add3A_305 : i32
        %mul3A_307 = arith.constant 16 : i32
        %mul3A_308 = arith.muli %add3A_306, %mul3A_307 : i32
        %swap3A_309 = arith.constant 0 : i32
        %swap3A_310 = arith.index_cast %swap3A_309 : i32 to index
        %swap3A_311 = arith.index_cast %mul3A_308 : i32 to index
        %swap3A_312 = tpu.vector_load %arg6[%swap3A_310, %swap3A_311] {strides = array<i32>} : memref<8x4096xf32, #tpu.memory_space<vmem>>, vector<16xf32>,
        tpu.vector_store %arg6[%swap3A_310, %swap3A_311], %gather3A_146 {strides = array<i32>} : memref<8x4096xf32, #tpu.memory_space<vmem>>, vector<16xf32>,
        %mul3A_313 = arith.constant 8 : i32
        %mul3A_314 = arith.muli %scan3A_252, %mul3A_313 : i32
        %add3A_315 = arith.constant 6 : i32
        %add3A_316 = arith.addi %mul3A_314, %add3A_315 : i32
        %mul3A_317 = arith.constant 16 : i32
        %mul3A_318 = arith.muli %add3A_316, %mul3A_317 : i32
        %swap3A_319 = arith.constant 0 : i32
        %swap3A_320 = arith.index_cast %swap3A_319 : i32 to index
        %swap3A_321 = arith.index_cast %mul3A_318 : i32 to index
        %swap3A_322 = tpu.vector_load %arg6[%swap3A_320, %swap3A_321] {strides = array<i32>} : memref<8x4096xf32, #tpu.memory_space<vmem>>, vector<16xf32>,
        tpu.vector_store %arg6[%swap3A_320, %swap3A_321], %gather3A_146 {strides = array<i32>} : memref<8x4096xf32, #tpu.memory_space<vmem>>, vector<16xf32>,
        %mul3A_323 = arith.constant 8 : i32
        %mul3A_324 = arith.muli %scan3A_252, %mul3A_323 : i32
        %add3A_325 = arith.constant 7 : i32
        %add3A_326 = arith.addi %mul3A_324, %add3A_325 : i32
        %mul3A_327 = arith.constant 16 : i32
        %mul3A_328 = arith.muli %add3A_326, %mul3A_327 : i32
        %swap3A_329 = arith.constant 0 : i32
        %swap3A_330 = arith.index_cast %swap3A_329 : i32 to index
        %swap3A_331 = arith.index_cast %mul3A_328 : i32 to index
        %swap3A_332 = tpu.vector_load %arg6[%swap3A_330, %swap3A_331] {strides = array<i32>} : memref<8x4096xf32, #tpu.memory_space<vmem>>, vector<16xf32>,
        tpu.vector_store %arg6[%swap3A_330, %swap3A_331], %gather3A_146 {strides = array<i32>} : memref<8x4096xf32, #tpu.memory_space<vmem>>, vector<16xf32>,
        %scan3A_333 = arith.constant 0 : i32
        scf.yield %scan3A_333 : i32
      }
      %scan3A_153 = arith.constant 32 : i32
      %mul3A_154 = arith.constant 8 : i32
      %mul3A_155 = arith.muli %add3A_31, %mul3A_154 : i32
      %add3A_156 = arith.constant 1 : i32
      %add3A_157 = arith.addi %mul3A_155, %add3A_156 : i32
      %broadcast_in_dim3A_158 = vector.broadcast %add3A_157 : i32 to vector<16xi32>
      %gather3A_159 = tpu.vector_load_idx %arg4[%broadcast_in_dim3A_158] : memref<12800xf32, #tpu.memory_space<vmem>>[vector<16xi32>], vector<16xf32>,
      %scan3A_160 = arith.constant 0 : i32
      %scan3A_161 = arith.constant 0 : i32
      %scan3A_162 = arith.constant 32 : i32
      %scan3A_163 = arith.addi %scan3A_161, %scan3A_162 : i32
      %scan3A_164 = arith.constant 1 : i32
      %scan3A_165 = scf.for %scan3A_252 = %scan3A_161 to %scan3A_163 step %scan3A_164 iter_args(%scan3A_253 = %scan3A_160) -> (i32)  : i32 {
        %mul3A_254 = arith.constant 8 : i32
        %mul3A_255 = arith.muli %scan3A_252, %mul3A_254 : i32
        %add3A_256 = arith.constant 0 : i32
        %add3A_257 = arith.addi %mul3A_255, %add3A_256 : i32
        %mul3A_258 = arith.constant 16 : i32
        %mul3A_259 = arith.muli %add3A_257, %mul3A_258 : i32
        %swap3A = arith.constant 1 : i32
        %swap3A_260 = arith.index_cast %swap3A : i32 to index
        %swap3A_261 = arith.index_cast %mul3A_259 : i32 to index
        %swap3A_262 = tpu.vector_load %arg6[%swap3A_260, %swap3A_261] {strides = array<i32>} : memref<8x4096xf32, #tpu.memory_space<vmem>>, vector<16xf32>,
        tpu.vector_store %arg6[%swap3A_260, %swap3A_261], %gather3A_159 {strides = array<i32>} : memref<8x4096xf32, #tpu.memory_space<vmem>>, vector<16xf32>,
        %mul3A_263 = arith.constant 8 : i32
        %mul3A_264 = arith.muli %scan3A_252, %mul3A_263 : i32
        %add3A_265 = arith.constant 1 : i32
        %add3A_266 = arith.addi %mul3A_264, %add3A_265 : i32
        %mul3A_267 = arith.constant 16 : i32
        %mul3A_268 = arith.muli %add3A_266, %mul3A_267 : i32
        %swap3A_269 = arith.constant 1 : i32
        %swap3A_270 = arith.index_cast %swap3A_269 : i32 to index
        %swap3A_271 = arith.index_cast %mul3A_268 : i32 to index
        %swap3A_272 = tpu.vector_load %arg6[%swap3A_270, %swap3A_271] {strides = array<i32>} : memref<8x4096xf32, #tpu.memory_space<vmem>>, vector<16xf32>,
        tpu.vector_store %arg6[%swap3A_270, %swap3A_271], %gather3A_159 {strides = array<i32>} : memref<8x4096xf32, #tpu.memory_space<vmem>>, vector<16xf32>,
        %mul3A_273 = arith.constant 8 : i32
        %mul3A_274 = arith.muli %scan3A_252, %mul3A_273 : i32
        %add3A_275 = arith.constant 2 : i32
        %add3A_276 = arith.addi %mul3A_274, %add3A_275 : i32
        %mul3A_277 = arith.constant 16 : i32
        %mul3A_278 = arith.muli %add3A_276, %mul3A_277 : i32
        %swap3A_279 = arith.constant 1 : i32
        %swap3A_280 = arith.index_cast %swap3A_279 : i32 to index
        %swap3A_281 = arith.index_cast %mul3A_278 : i32 to index
        %swap3A_282 = tpu.vector_load %arg6[%swap3A_280, %swap3A_281] {strides = array<i32>} : memref<8x4096xf32, #tpu.memory_space<vmem>>, vector<16xf32>,
        tpu.vector_store %arg6[%swap3A_280, %swap3A_281], %gather3A_159 {strides = array<i32>} : memref<8x4096xf32, #tpu.memory_space<vmem>>, vector<16xf32>,
        %mul3A_283 = arith.constant 8 : i32
        %mul3A_284 = arith.muli %scan3A_252, %mul3A_283 : i32
        %add3A_285 = arith.constant 3 : i32
        %add3A_286 = arith.addi %mul3A_284, %add3A_285 : i32
        %mul3A_287 = arith.constant 16 : i32
        %mul3A_288 = arith.muli %add3A_286, %mul3A_287 : i32
        %swap3A_289 = arith.constant 1 : i32
        %swap3A_290 = arith.index_cast %swap3A_289 : i32 to index
        %swap3A_291 = arith.index_cast %mul3A_288 : i32 to index
        %swap3A_292 = tpu.vector_load %arg6[%swap3A_290, %swap3A_291] {strides = array<i32>} : memref<8x4096xf32, #tpu.memory_space<vmem>>, vector<16xf32>,
        tpu.vector_store %arg6[%swap3A_290, %swap3A_291], %gather3A_159 {strides = array<i32>} : memref<8x4096xf32, #tpu.memory_space<vmem>>, vector<16xf32>,
        %mul3A_293 = arith.constant 8 : i32
        %mul3A_294 = arith.muli %scan3A_252, %mul3A_293 : i32
        %add3A_295 = arith.constant 4 : i32
        %add3A_296 = arith.addi %mul3A_294, %add3A_295 : i32
        %mul3A_297 = arith.constant 16 : i32
        %mul3A_298 = arith.muli %add3A_296, %mul3A_297 : i32
        %swap3A_299 = arith.constant 1 : i32
        %swap3A_300 = arith.index_cast %swap3A_299 : i32 to index
        %swap3A_301 = arith.index_cast %mul3A_298 : i32 to index
        %swap3A_302 = tpu.vector_load %arg6[%swap3A_300, %swap3A_301] {strides = array<i32>} : memref<8x4096xf32, #tpu.memory_space<vmem>>, vector<16xf32>,
        tpu.vector_store %arg6[%swap3A_300, %swap3A_301], %gather3A_159 {strides = array<i32>} : memref<8x4096xf32, #tpu.memory_space<vmem>>, vector<16xf32>,
        %mul3A_303 = arith.constant 8 : i32
        %mul3A_304 = arith.muli %scan3A_252, %mul3A_303 : i32
        %add3A_305 = arith.constant 5 : i32
        %add3A_306 = arith.addi %mul3A_304, %add3A_305 : i32
        %mul3A_307 = arith.constant 16 : i32
        %mul3A_308 = arith.muli %add3A_306, %mul3A_307 : i32
        %swap3A_309 = arith.constant 1 : i32
        %swap3A_310 = arith.index_cast %swap3A_309 : i32 to index
        %swap3A_311 = arith.index_cast %mul3A_308 : i32 to index
        %swap3A_312 = tpu.vector_load %arg6[%swap3A_310, %swap3A_311] {strides = array<i32>} : memref<8x4096xf32, #tpu.memory_space<vmem>>, vector<16xf32>,
        tpu.vector_store %arg6[%swap3A_310, %swap3A_311], %gather3A_159 {strides = array<i32>} : memref<8x4096xf32, #tpu.memory_space<vmem>>, vector<16xf32>,
        %mul3A_313 = arith.constant 8 : i32
        %mul3A_314 = arith.muli %scan3A_252, %mul3A_313 : i32
        %add3A_315 = arith.constant 6 : i32
        %add3A_316 = arith.addi %mul3A_314, %add3A_315 : i32
        %mul3A_317 = arith.constant 16 : i32
        %mul3A_318 = arith.muli %add3A_316, %mul3A_317 : i32
        %swap3A_319 = arith.constant 1 : i32
        %swap3A_320 = arith.index_cast %swap3A_319 : i32 to index
        %swap3A_321 = arith.index_cast %mul3A_318 : i32 to index
        %swap3A_322 = tpu.vector_load %arg6[%swap3A_320, %swap3A_321] {strides = array<i32>} : memref<8x4096xf32, #tpu.memory_space<vmem>>, vector<16xf32>,
        tpu.vector_store %arg6[%swap3A_320, %swap3A_321], %gather3A_159 {strides = array<i32>} : memref<8x4096xf32, #tpu.memory_space<vmem>>, vector<16xf32>,
        %mul3A_323 = arith.constant 8 : i32
        %mul3A_324 = arith.muli %scan3A_252, %mul3A_323 : i32
        %add3A_325 = arith.constant 7 : i32
        %add3A_326 = arith.addi %mul3A_324, %add3A_325 : i32
        %mul3A_327 = arith.constant 16 : i32
        %mul3A_328 = arith.muli %add3A_326, %mul3A_327 : i32
        %swap3A_329 = arith.constant 1 : i32
        %swap3A_330 = arith.index_cast %swap3A_329 : i32 to index
        %swap3A_331 = arith.index_cast %mul3A_328 : i32 to index
        %swap3A_332 = tpu.vector_load %arg6[%swap3A_330, %swap3A_331] {strides = array<i32>} : memref<8x4096xf32, #tpu.memory_space<vmem>>, vector<16xf32>,
        tpu.vector_store %arg6[%swap3A_330, %swap3A_331], %gather3A_159 {strides = array<i32>} : memref<8x4096xf32, #tpu.memory_space<vmem>>, vector<16xf32>,
        %scan3A_333 = arith.constant 0 : i32
        scf.yield %scan3A_333 : i32
      }
      %scan3A_166 = arith.constant 32 : i32
      %mul3A_167 = arith.constant 8 : i32
      %mul3A_168 = arith.muli %add3A_31, %mul3A_167 : i32
      %add3A_169 = arith.constant 2 : i32
      %add3A_170 = arith.addi %mul3A_168, %add3A_169 : i32
      %broadcast_in_dim3A_171 = vector.broadcast %add3A_170 : i32 to vector<16xi32>
      %gather3A_172 = tpu.vector_load_idx %arg4[%broadcast_in_dim3A_171] : memref<12800xf32, #tpu.memory_space<vmem>>[vector<16xi32>], vector<16xf32>,
      %scan3A_173 = arith.constant 0 : i32
      %scan3A_174 = arith.constant 0 : i32
      %scan3A_175 = arith.constant 32 : i32
      %scan3A_176 = arith.addi %scan3A_174, %scan3A_175 : i32
      %scan3A_177 = arith.constant 1 : i32
      %scan3A_178 = scf.for %scan3A_252 = %scan3A_174 to %scan3A_176 step %scan3A_177 iter_args(%scan3A_253 = %scan3A_173) -> (i32)  : i32 {
        %mul3A_254 = arith.constant 8 : i32
        %mul3A_255 = arith.muli %scan3A_252, %mul3A_254 : i32
        %add3A_256 = arith.constant 0 : i32
        %add3A_257 = arith.addi %mul3A_255, %add3A_256 : i32
        %mul3A_258 = arith.constant 16 : i32
        %mul3A_259 = arith.muli %add3A_257, %mul3A_258 : i32
        %swap3A = arith.constant 2 : i32
        %swap3A_260 = arith.index_cast %swap3A : i32 to index
        %swap3A_261 = arith.index_cast %mul3A_259 : i32 to index
        %swap3A_262 = tpu.vector_load %arg6[%swap3A_260, %swap3A_261] {strides = array<i32>} : memref<8x4096xf32, #tpu.memory_space<vmem>>, vector<16xf32>,
        tpu.vector_store %arg6[%swap3A_260, %swap3A_261], %gather3A_172 {strides = array<i32>} : memref<8x4096xf32, #tpu.memory_space<vmem>>, vector<16xf32>,
        %mul3A_263 = arith.constant 8 : i32
        %mul3A_264 = arith.muli %scan3A_252, %mul3A_263 : i32
        %add3A_265 = arith.constant 1 : i32
        %add3A_266 = arith.addi %mul3A_264, %add3A_265 : i32
        %mul3A_267 = arith.constant 16 : i32
        %mul3A_268 = arith.muli %add3A_266, %mul3A_267 : i32
        %swap3A_269 = arith.constant 2 : i32
        %swap3A_270 = arith.index_cast %swap3A_269 : i32 to index
        %swap3A_271 = arith.index_cast %mul3A_268 : i32 to index
        %swap3A_272 = tpu.vector_load %arg6[%swap3A_270, %swap3A_271] {strides = array<i32>} : memref<8x4096xf32, #tpu.memory_space<vmem>>, vector<16xf32>,
        tpu.vector_store %arg6[%swap3A_270, %swap3A_271], %gather3A_172 {strides = array<i32>} : memref<8x4096xf32, #tpu.memory_space<vmem>>, vector<16xf32>,
        %mul3A_273 = arith.constant 8 : i32
        %mul3A_274 = arith.muli %scan3A_252, %mul3A_273 : i32
        %add3A_275 = arith.constant 2 : i32
        %add3A_276 = arith.addi %mul3A_274, %add3A_275 : i32
        %mul3A_277 = arith.constant 16 : i32
        %mul3A_278 = arith.muli %add3A_276, %mul3A_277 : i32
        %swap3A_279 = arith.constant 2 : i32
        %swap3A_280 = arith.index_cast %swap3A_279 : i32 to index
        %swap3A_281 = arith.index_cast %mul3A_278 : i32 to index
        %swap3A_282 = tpu.vector_load %arg6[%swap3A_280, %swap3A_281] {strides = array<i32>} : memref<8x4096xf32, #tpu.memory_space<vmem>>, vector<16xf32>,
        tpu.vector_store %arg6[%swap3A_280, %swap3A_281], %gather3A_172 {strides = array<i32>} : memref<8x4096xf32, #tpu.memory_space<vmem>>, vector<16xf32>,
        %mul3A_283 = arith.constant 8 : i32
        %mul3A_284 = arith.muli %scan3A_252, %mul3A_283 : i32
        %add3A_285 = arith.constant 3 : i32
        %add3A_286 = arith.addi %mul3A_284, %add3A_285 : i32
        %mul3A_287 = arith.constant 16 : i32
        %mul3A_288 = arith.muli %add3A_286, %mul3A_287 : i32
        %swap3A_289 = arith.constant 2 : i32
        %swap3A_290 = arith.index_cast %swap3A_289 : i32 to index
        %swap3A_291 = arith.index_cast %mul3A_288 : i32 to index
        %swap3A_292 = tpu.vector_load %arg6[%swap3A_290, %swap3A_291] {strides = array<i32>} : memref<8x4096xf32, #tpu.memory_space<vmem>>, vector<16xf32>,
        tpu.vector_store %arg6[%swap3A_290, %swap3A_291], %gather3A_172 {strides = array<i32>} : memref<8x4096xf32, #tpu.memory_space<vmem>>, vector<16xf32>,
        %mul3A_293 = arith.constant 8 : i32
        %mul3A_294 = arith.muli %scan3A_252, %mul3A_293 : i32
        %add3A_295 = arith.constant 4 : i32
        %add3A_296 = arith.addi %mul3A_294, %add3A_295 : i32
        %mul3A_297 = arith.constant 16 : i32
        %mul3A_298 = arith.muli %add3A_296, %mul3A_297 : i32
        %swap3A_299 = arith.constant 2 : i32
        %swap3A_300 = arith.index_cast %swap3A_299 : i32 to index
        %swap3A_301 = arith.index_cast %mul3A_298 : i32 to index
        %swap3A_302 = tpu.vector_load %arg6[%swap3A_300, %swap3A_301] {strides = array<i32>} : memref<8x4096xf32, #tpu.memory_space<vmem>>, vector<16xf32>,
        tpu.vector_store %arg6[%swap3A_300, %swap3A_301], %gather3A_172 {strides = array<i32>} : memref<8x4096xf32, #tpu.memory_space<vmem>>, vector<16xf32>,
        %mul3A_303 = arith.constant 8 : i32
        %mul3A_304 = arith.muli %scan3A_252, %mul3A_303 : i32
        %add3A_305 = arith.constant 5 : i32
        %add3A_306 = arith.addi %mul3A_304, %add3A_305 : i32
        %mul3A_307 = arith.constant 16 : i32
        %mul3A_308 = arith.muli %add3A_306, %mul3A_307 : i32
        %swap3A_309 = arith.constant 2 : i32
        %swap3A_310 = arith.index_cast %swap3A_309 : i32 to index
        %swap3A_311 = arith.index_cast %mul3A_308 : i32 to index
        %swap3A_312 = tpu.vector_load %arg6[%swap3A_310, %swap3A_311] {strides = array<i32>} : memref<8x4096xf32, #tpu.memory_space<vmem>>, vector<16xf32>,
        tpu.vector_store %arg6[%swap3A_310, %swap3A_311], %gather3A_172 {strides = array<i32>} : memref<8x4096xf32, #tpu.memory_space<vmem>>, vector<16xf32>,
        %mul3A_313 = arith.constant 8 : i32
        %mul3A_314 = arith.muli %scan3A_252, %mul3A_313 : i32
        %add3A_315 = arith.constant 6 : i32
        %add3A_316 = arith.addi %mul3A_314, %add3A_315 : i32
        %mul3A_317 = arith.constant 16 : i32
        %mul3A_318 = arith.muli %add3A_316, %mul3A_317 : i32
        %swap3A_319 = arith.constant 2 : i32
        %swap3A_320 = arith.index_cast %swap3A_319 : i32 to index
        %swap3A_321 = arith.index_cast %mul3A_318 : i32 to index
        %swap3A_322 = tpu.vector_load %arg6[%swap3A_320, %swap3A_321] {strides = array<i32>} : memref<8x4096xf32, #tpu.memory_space<vmem>>, vector<16xf32>,
        tpu.vector_store %arg6[%swap3A_320, %swap3A_321], %gather3A_172 {strides = array<i32>} : memref<8x4096xf32, #tpu.memory_space<vmem>>, vector<16xf32>,
        %mul3A_323 = arith.constant 8 : i32
        %mul3A_324 = arith.muli %scan3A_252, %mul3A_323 : i32
        %add3A_325 = arith.constant 7 : i32
        %add3A_326 = arith.addi %mul3A_324, %add3A_325 : i32
        %mul3A_327 = arith.constant 16 : i32
        %mul3A_328 = arith.muli %add3A_326, %mul3A_327 : i32
        %swap3A_329 = arith.constant 2 : i32
        %swap3A_330 = arith.index_cast %swap3A_329 : i32 to index
        %swap3A_331 = arith.index_cast %mul3A_328 : i32 to index
        %swap3A_332 = tpu.vector_load %arg6[%swap3A_330, %swap3A_331] {strides = array<i32>} : memref<8x4096xf32, #tpu.memory_space<vmem>>, vector<16xf32>,
        tpu.vector_store %arg6[%swap3A_330, %swap3A_331], %gather3A_172 {strides = array<i32>} : memref<8x4096xf32, #tpu.memory_space<vmem>>, vector<16xf32>,
        %scan3A_333 = arith.constant 0 : i32
        scf.yield %scan3A_333 : i32
      }
      %scan3A_179 = arith.constant 32 : i32
      %mul3A_180 = arith.constant 8 : i32
      %mul3A_181 = arith.muli %add3A_31, %mul3A_180 : i32
      %add3A_182 = arith.constant 3 : i32
      %add3A_183 = arith.addi %mul3A_181, %add3A_182 : i32
      %broadcast_in_dim3A_184 = vector.broadcast %add3A_183 : i32 to vector<16xi32>
      %gather3A_185 = tpu.vector_load_idx %arg4[%broadcast_in_dim3A_184] : memref<12800xf32, #tpu.memory_space<vmem>>[vector<16xi32>], vector<16xf32>,
      %scan3A_186 = arith.constant 0 : i32
      %scan3A_187 = arith.constant 0 : i32
      %scan3A_188 = arith.constant 32 : i32
      %scan3A_189 = arith.addi %scan3A_187, %scan3A_188 : i32
      %scan3A_190 = arith.constant 1 : i32
      %scan3A_191 = scf.for %scan3A_252 = %scan3A_187 to %scan3A_189 step %scan3A_190 iter_args(%scan3A_253 = %scan3A_186) -> (i32)  : i32 {
        %mul3A_254 = arith.constant 8 : i32
        %mul3A_255 = arith.muli %scan3A_252, %mul3A_254 : i32
        %add3A_256 = arith.constant 0 : i32
        %add3A_257 = arith.addi %mul3A_255, %add3A_256 : i32
        %mul3A_258 = arith.constant 16 : i32
        %mul3A_259 = arith.muli %add3A_257, %mul3A_258 : i32
        %swap3A = arith.constant 3 : i32
        %swap3A_260 = arith.index_cast %swap3A : i32 to index
        %swap3A_261 = arith.index_cast %mul3A_259 : i32 to index
        %swap3A_262 = tpu.vector_load %arg6[%swap3A_260, %swap3A_261] {strides = array<i32>} : memref<8x4096xf32, #tpu.memory_space<vmem>>, vector<16xf32>,
        tpu.vector_store %arg6[%swap3A_260, %swap3A_261], %gather3A_185 {strides = array<i32>} : memref<8x4096xf32, #tpu.memory_space<vmem>>, vector<16xf32>,
        %mul3A_263 = arith.constant 8 : i32
        %mul3A_264 = arith.muli %scan3A_252, %mul3A_263 : i32
        %add3A_265 = arith.constant 1 : i32
        %add3A_266 = arith.addi %mul3A_264, %add3A_265 : i32
        %mul3A_267 = arith.constant 16 : i32
        %mul3A_268 = arith.muli %add3A_266, %mul3A_267 : i32
        %swap3A_269 = arith.constant 3 : i32
        %swap3A_270 = arith.index_cast %swap3A_269 : i32 to index
        %swap3A_271 = arith.index_cast %mul3A_268 : i32 to index
        %swap3A_272 = tpu.vector_load %arg6[%swap3A_270, %swap3A_271] {strides = array<i32>} : memref<8x4096xf32, #tpu.memory_space<vmem>>, vector<16xf32>,
        tpu.vector_store %arg6[%swap3A_270, %swap3A_271], %gather3A_185 {strides = array<i32>} : memref<8x4096xf32, #tpu.memory_space<vmem>>, vector<16xf32>,
        %mul3A_273 = arith.constant 8 : i32
        %mul3A_274 = arith.muli %scan3A_252, %mul3A_273 : i32
        %add3A_275 = arith.constant 2 : i32
        %add3A_276 = arith.addi %mul3A_274, %add3A_275 : i32
        %mul3A_277 = arith.constant 16 : i32
        %mul3A_278 = arith.muli %add3A_276, %mul3A_277 : i32
        %swap3A_279 = arith.constant 3 : i32
        %swap3A_280 = arith.index_cast %swap3A_279 : i32 to index
        %swap3A_281 = arith.index_cast %mul3A_278 : i32 to index
        %swap3A_282 = tpu.vector_load %arg6[%swap3A_280, %swap3A_281] {strides = array<i32>} : memref<8x4096xf32, #tpu.memory_space<vmem>>, vector<16xf32>,
        tpu.vector_store %arg6[%swap3A_280, %swap3A_281], %gather3A_185 {strides = array<i32>} : memref<8x4096xf32, #tpu.memory_space<vmem>>, vector<16xf32>,
        %mul3A_283 = arith.constant 8 : i32
        %mul3A_284 = arith.muli %scan3A_252, %mul3A_283 : i32
        %add3A_285 = arith.constant 3 : i32
        %add3A_286 = arith.addi %mul3A_284, %add3A_285 : i32
        %mul3A_287 = arith.constant 16 : i32
        %mul3A_288 = arith.muli %add3A_286, %mul3A_287 : i32
        %swap3A_289 = arith.constant 3 : i32
        %swap3A_290 = arith.index_cast %swap3A_289 : i32 to index
        %swap3A_291 = arith.index_cast %mul3A_288 : i32 to index
        %swap3A_292 = tpu.vector_load %arg6[%swap3A_290, %swap3A_291] {strides = array<i32>} : memref<8x4096xf32, #tpu.memory_space<vmem>>, vector<16xf32>,
        tpu.vector_store %arg6[%swap3A_290, %swap3A_291], %gather3A_185 {strides = array<i32>} : memref<8x4096xf32, #tpu.memory_space<vmem>>, vector<16xf32>,
        %mul3A_293 = arith.constant 8 : i32
        %mul3A_294 = arith.muli %scan3A_252, %mul3A_293 : i32
        %add3A_295 = arith.constant 4 : i32
        %add3A_296 = arith.addi %mul3A_294, %add3A_295 : i32
        %mul3A_297 = arith.constant 16 : i32
        %mul3A_298 = arith.muli %add3A_296, %mul3A_297 : i32
        %swap3A_299 = arith.constant 3 : i32
        %swap3A_300 = arith.index_cast %swap3A_299 : i32 to index
        %swap3A_301 = arith.index_cast %mul3A_298 : i32 to index
        %swap3A_302 = tpu.vector_load %arg6[%swap3A_300, %swap3A_301] {strides = array<i32>} : memref<8x4096xf32, #tpu.memory_space<vmem>>, vector<16xf32>,
        tpu.vector_store %arg6[%swap3A_300, %swap3A_301], %gather3A_185 {strides = array<i32>} : memref<8x4096xf32, #tpu.memory_space<vmem>>, vector<16xf32>,
        %mul3A_303 = arith.constant 8 : i32
        %mul3A_304 = arith.muli %scan3A_252, %mul3A_303 : i32
        %add3A_305 = arith.constant 5 : i32
        %add3A_306 = arith.addi %mul3A_304, %add3A_305 : i32
        %mul3A_307 = arith.constant 16 : i32
        %mul3A_308 = arith.muli %add3A_306, %mul3A_307 : i32
        %swap3A_309 = arith.constant 3 : i32
        %swap3A_310 = arith.index_cast %swap3A_309 : i32 to index
        %swap3A_311 = arith.index_cast %mul3A_308 : i32 to index
        %swap3A_312 = tpu.vector_load %arg6[%swap3A_310, %swap3A_311] {strides = array<i32>} : memref<8x4096xf32, #tpu.memory_space<vmem>>, vector<16xf32>,
        tpu.vector_store %arg6[%swap3A_310, %swap3A_311], %gather3A_185 {strides = array<i32>} : memref<8x4096xf32, #tpu.memory_space<vmem>>, vector<16xf32>,
        %mul3A_313 = arith.constant 8 : i32
        %mul3A_314 = arith.muli %scan3A_252, %mul3A_313 : i32
        %add3A_315 = arith.constant 6 : i32
        %add3A_316 = arith.addi %mul3A_314, %add3A_315 : i32
        %mul3A_317 = arith.constant 16 : i32
        %mul3A_318 = arith.muli %add3A_316, %mul3A_317 : i32
        %swap3A_319 = arith.constant 3 : i32
        %swap3A_320 = arith.index_cast %swap3A_319 : i32 to index
        %swap3A_321 = arith.index_cast %mul3A_318 : i32 to index
        %swap3A_322 = tpu.vector_load %arg6[%swap3A_320, %swap3A_321] {strides = array<i32>} : memref<8x4096xf32, #tpu.memory_space<vmem>>, vector<16xf32>,
        tpu.vector_store %arg6[%swap3A_320, %swap3A_321], %gather3A_185 {strides = array<i32>} : memref<8x4096xf32, #tpu.memory_space<vmem>>, vector<16xf32>,
        %mul3A_323 = arith.constant 8 : i32
        %mul3A_324 = arith.muli %scan3A_252, %mul3A_323 : i32
        %add3A_325 = arith.constant 7 : i32
        %add3A_326 = arith.addi %mul3A_324, %add3A_325 : i32
        %mul3A_327 = arith.constant 16 : i32
        %mul3A_328 = arith.muli %add3A_326, %mul3A_327 : i32
        %swap3A_329 = arith.constant 3 : i32
        %swap3A_330 = arith.index_cast %swap3A_329 : i32 to index
        %swap3A_331 = arith.index_cast %mul3A_328 : i32 to index
        %swap3A_332 = tpu.vector_load %arg6[%swap3A_330, %swap3A_331] {strides = array<i32>} : memref<8x4096xf32, #tpu.memory_space<vmem>>, vector<16xf32>,
        tpu.vector_store %arg6[%swap3A_330, %swap3A_331], %gather3A_185 {strides = array<i32>} : memref<8x4096xf32, #tpu.memory_space<vmem>>, vector<16xf32>,
        %scan3A_333 = arith.constant 0 : i32
        scf.yield %scan3A_333 : i32
      }
      %scan3A_192 = arith.constant 32 : i32
      %mul3A_193 = arith.constant 8 : i32
      %mul3A_194 = arith.muli %add3A_31, %mul3A_193 : i32
      %add3A_195 = arith.constant 4 : i32
      %add3A_196 = arith.addi %mul3A_194, %add3A_195 : i32
      %broadcast_in_dim3A_197 = vector.broadcast %add3A_196 : i32 to vector<16xi32>
      %gather3A_198 = tpu.vector_load_idx %arg4[%broadcast_in_dim3A_197] : memref<12800xf32, #tpu.memory_space<vmem>>[vector<16xi32>], vector<16xf32>,
      %scan3A_199 = arith.constant 0 : i32
      %scan3A_200 = arith.constant 0 : i32
      %scan3A_201 = arith.constant 32 : i32
      %scan3A_202 = arith.addi %scan3A_200, %scan3A_201 : i32
      %scan3A_203 = arith.constant 1 : i32
      %scan3A_204 = scf.for %scan3A_252 = %scan3A_200 to %scan3A_202 step %scan3A_203 iter_args(%scan3A_253 = %scan3A_199) -> (i32)  : i32 {
        %mul3A_254 = arith.constant 8 : i32
        %mul3A_255 = arith.muli %scan3A_252, %mul3A_254 : i32
        %add3A_256 = arith.constant 0 : i32
        %add3A_257 = arith.addi %mul3A_255, %add3A_256 : i32
        %mul3A_258 = arith.constant 16 : i32
        %mul3A_259 = arith.muli %add3A_257, %mul3A_258 : i32
        %swap3A = arith.constant 4 : i32
        %swap3A_260 = arith.index_cast %swap3A : i32 to index
        %swap3A_261 = arith.index_cast %mul3A_259 : i32 to index
        %swap3A_262 = tpu.vector_load %arg6[%swap3A_260, %swap3A_261] {strides = array<i32>} : memref<8x4096xf32, #tpu.memory_space<vmem>>, vector<16xf32>,
        tpu.vector_store %arg6[%swap3A_260, %swap3A_261], %gather3A_198 {strides = array<i32>} : memref<8x4096xf32, #tpu.memory_space<vmem>>, vector<16xf32>,
        %mul3A_263 = arith.constant 8 : i32
        %mul3A_264 = arith.muli %scan3A_252, %mul3A_263 : i32
        %add3A_265 = arith.constant 1 : i32
        %add3A_266 = arith.addi %mul3A_264, %add3A_265 : i32
        %mul3A_267 = arith.constant 16 : i32
        %mul3A_268 = arith.muli %add3A_266, %mul3A_267 : i32
        %swap3A_269 = arith.constant 4 : i32
        %swap3A_270 = arith.index_cast %swap3A_269 : i32 to index
        %swap3A_271 = arith.index_cast %mul3A_268 : i32 to index
        %swap3A_272 = tpu.vector_load %arg6[%swap3A_270, %swap3A_271] {strides = array<i32>} : memref<8x4096xf32, #tpu.memory_space<vmem>>, vector<16xf32>,
        tpu.vector_store %arg6[%swap3A_270, %swap3A_271], %gather3A_198 {strides = array<i32>} : memref<8x4096xf32, #tpu.memory_space<vmem>>, vector<16xf32>,
        %mul3A_273 = arith.constant 8 : i32
        %mul3A_274 = arith.muli %scan3A_252, %mul3A_273 : i32
        %add3A_275 = arith.constant 2 : i32
        %add3A_276 = arith.addi %mul3A_274, %add3A_275 : i32
        %mul3A_277 = arith.constant 16 : i32
        %mul3A_278 = arith.muli %add3A_276, %mul3A_277 : i32
        %swap3A_279 = arith.constant 4 : i32
        %swap3A_280 = arith.index_cast %swap3A_279 : i32 to index
        %swap3A_281 = arith.index_cast %mul3A_278 : i32 to index
        %swap3A_282 = tpu.vector_load %arg6[%swap3A_280, %swap3A_281] {strides = array<i32>} : memref<8x4096xf32, #tpu.memory_space<vmem>>, vector<16xf32>,
        tpu.vector_store %arg6[%swap3A_280, %swap3A_281], %gather3A_198 {strides = array<i32>} : memref<8x4096xf32, #tpu.memory_space<vmem>>, vector<16xf32>,
        %mul3A_283 = arith.constant 8 : i32
        %mul3A_284 = arith.muli %scan3A_252, %mul3A_283 : i32
        %add3A_285 = arith.constant 3 : i32
        %add3A_286 = arith.addi %mul3A_284, %add3A_285 : i32
        %mul3A_287 = arith.constant 16 : i32
        %mul3A_288 = arith.muli %add3A_286, %mul3A_287 : i32
        %swap3A_289 = arith.constant 4 : i32
        %swap3A_290 = arith.index_cast %swap3A_289 : i32 to index
        %swap3A_291 = arith.index_cast %mul3A_288 : i32 to index
        %swap3A_292 = tpu.vector_load %arg6[%swap3A_290, %swap3A_291] {strides = array<i32>} : memref<8x4096xf32, #tpu.memory_space<vmem>>, vector<16xf32>,
        tpu.vector_store %arg6[%swap3A_290, %swap3A_291], %gather3A_198 {strides = array<i32>} : memref<8x4096xf32, #tpu.memory_space<vmem>>, vector<16xf32>,
        %mul3A_293 = arith.constant 8 : i32
        %mul3A_294 = arith.muli %scan3A_252, %mul3A_293 : i32
        %add3A_295 = arith.constant 4 : i32
        %add3A_296 = arith.addi %mul3A_294, %add3A_295 : i32
        %mul3A_297 = arith.constant 16 : i32
        %mul3A_298 = arith.muli %add3A_296, %mul3A_297 : i32
        %swap3A_299 = arith.constant 4 : i32
        %swap3A_300 = arith.index_cast %swap3A_299 : i32 to index
        %swap3A_301 = arith.index_cast %mul3A_298 : i32 to index
        %swap3A_302 = tpu.vector_load %arg6[%swap3A_300, %swap3A_301] {strides = array<i32>} : memref<8x4096xf32, #tpu.memory_space<vmem>>, vector<16xf32>,
        tpu.vector_store %arg6[%swap3A_300, %swap3A_301], %gather3A_198 {strides = array<i32>} : memref<8x4096xf32, #tpu.memory_space<vmem>>, vector<16xf32>,
        %mul3A_303 = arith.constant 8 : i32
        %mul3A_304 = arith.muli %scan3A_252, %mul3A_303 : i32
        %add3A_305 = arith.constant 5 : i32
        %add3A_306 = arith.addi %mul3A_304, %add3A_305 : i32
        %mul3A_307 = arith.constant 16 : i32
        %mul3A_308 = arith.muli %add3A_306, %mul3A_307 : i32
        %swap3A_309 = arith.constant 4 : i32
        %swap3A_310 = arith.index_cast %swap3A_309 : i32 to index
        %swap3A_311 = arith.index_cast %mul3A_308 : i32 to index
        %swap3A_312 = tpu.vector_load %arg6[%swap3A_310, %swap3A_311] {strides = array<i32>} : memref<8x4096xf32, #tpu.memory_space<vmem>>, vector<16xf32>,
        tpu.vector_store %arg6[%swap3A_310, %swap3A_311], %gather3A_198 {strides = array<i32>} : memref<8x4096xf32, #tpu.memory_space<vmem>>, vector<16xf32>,
        %mul3A_313 = arith.constant 8 : i32
        %mul3A_314 = arith.muli %scan3A_252, %mul3A_313 : i32
        %add3A_315 = arith.constant 6 : i32
        %add3A_316 = arith.addi %mul3A_314, %add3A_315 : i32
        %mul3A_317 = arith.constant 16 : i32
        %mul3A_318 = arith.muli %add3A_316, %mul3A_317 : i32
        %swap3A_319 = arith.constant 4 : i32
        %swap3A_320 = arith.index_cast %swap3A_319 : i32 to index
        %swap3A_321 = arith.index_cast %mul3A_318 : i32 to index
        %swap3A_322 = tpu.vector_load %arg6[%swap3A_320, %swap3A_321] {strides = array<i32>} : memref<8x4096xf32, #tpu.memory_space<vmem>>, vector<16xf32>,
        tpu.vector_store %arg6[%swap3A_320, %swap3A_321], %gather3A_198 {strides = array<i32>} : memref<8x4096xf32, #tpu.memory_space<vmem>>, vector<16xf32>,
        %mul3A_323 = arith.constant 8 : i32
        %mul3A_324 = arith.muli %scan3A_252, %mul3A_323 : i32
        %add3A_325 = arith.constant 7 : i32
        %add3A_326 = arith.addi %mul3A_324, %add3A_325 : i32
        %mul3A_327 = arith.constant 16 : i32
        %mul3A_328 = arith.muli %add3A_326, %mul3A_327 : i32
        %swap3A_329 = arith.constant 4 : i32
        %swap3A_330 = arith.index_cast %swap3A_329 : i32 to index
        %swap3A_331 = arith.index_cast %mul3A_328 : i32 to index
        %swap3A_332 = tpu.vector_load %arg6[%swap3A_330, %swap3A_331] {strides = array<i32>} : memref<8x4096xf32, #tpu.memory_space<vmem>>, vector<16xf32>,
        tpu.vector_store %arg6[%swap3A_330, %swap3A_331], %gather3A_198 {strides = array<i32>} : memref<8x4096xf32, #tpu.memory_space<vmem>>, vector<16xf32>,
        %scan3A_333 = arith.constant 0 : i32
        scf.yield %scan3A_333 : i32
      }
      %scan3A_205 = arith.constant 32 : i32
      %mul3A_206 = arith.constant 8 : i32
      %mul3A_207 = arith.muli %add3A_31, %mul3A_206 : i32
      %add3A_208 = arith.constant 5 : i32
      %add3A_209 = arith.addi %mul3A_207, %add3A_208 : i32
      %broadcast_in_dim3A_210 = vector.broadcast %add3A_209 : i32 to vector<16xi32>
      %gather3A_211 = tpu.vector_load_idx %arg4[%broadcast_in_dim3A_210] : memref<12800xf32, #tpu.memory_space<vmem>>[vector<16xi32>], vector<16xf32>,
      %scan3A_212 = arith.constant 0 : i32
      %scan3A_213 = arith.constant 0 : i32
      %scan3A_214 = arith.constant 32 : i32
      %scan3A_215 = arith.addi %scan3A_213, %scan3A_214 : i32
      %scan3A_216 = arith.constant 1 : i32
      %scan3A_217 = scf.for %scan3A_252 = %scan3A_213 to %scan3A_215 step %scan3A_216 iter_args(%scan3A_253 = %scan3A_212) -> (i32)  : i32 {
        %mul3A_254 = arith.constant 8 : i32
        %mul3A_255 = arith.muli %scan3A_252, %mul3A_254 : i32
        %add3A_256 = arith.constant 0 : i32
        %add3A_257 = arith.addi %mul3A_255, %add3A_256 : i32
        %mul3A_258 = arith.constant 16 : i32
        %mul3A_259 = arith.muli %add3A_257, %mul3A_258 : i32
        %swap3A = arith.constant 5 : i32
        %swap3A_260 = arith.index_cast %swap3A : i32 to index
        %swap3A_261 = arith.index_cast %mul3A_259 : i32 to index
        %swap3A_262 = tpu.vector_load %arg6[%swap3A_260, %swap3A_261] {strides = array<i32>} : memref<8x4096xf32, #tpu.memory_space<vmem>>, vector<16xf32>,
        tpu.vector_store %arg6[%swap3A_260, %swap3A_261], %gather3A_211 {strides = array<i32>} : memref<8x4096xf32, #tpu.memory_space<vmem>>, vector<16xf32>,
        %mul3A_263 = arith.constant 8 : i32
        %mul3A_264 = arith.muli %scan3A_252, %mul3A_263 : i32
        %add3A_265 = arith.constant 1 : i32
        %add3A_266 = arith.addi %mul3A_264, %add3A_265 : i32
        %mul3A_267 = arith.constant 16 : i32
        %mul3A_268 = arith.muli %add3A_266, %mul3A_267 : i32
        %swap3A_269 = arith.constant 5 : i32
        %swap3A_270 = arith.index_cast %swap3A_269 : i32 to index
        %swap3A_271 = arith.index_cast %mul3A_268 : i32 to index
        %swap3A_272 = tpu.vector_load %arg6[%swap3A_270, %swap3A_271] {strides = array<i32>} : memref<8x4096xf32, #tpu.memory_space<vmem>>, vector<16xf32>,
        tpu.vector_store %arg6[%swap3A_270, %swap3A_271], %gather3A_211 {strides = array<i32>} : memref<8x4096xf32, #tpu.memory_space<vmem>>, vector<16xf32>,
        %mul3A_273 = arith.constant 8 : i32
        %mul3A_274 = arith.muli %scan3A_252, %mul3A_273 : i32
        %add3A_275 = arith.constant 2 : i32
        %add3A_276 = arith.addi %mul3A_274, %add3A_275 : i32
        %mul3A_277 = arith.constant 16 : i32
        %mul3A_278 = arith.muli %add3A_276, %mul3A_277 : i32
        %swap3A_279 = arith.constant 5 : i32
        %swap3A_280 = arith.index_cast %swap3A_279 : i32 to index
        %swap3A_281 = arith.index_cast %mul3A_278 : i32 to index
        %swap3A_282 = tpu.vector_load %arg6[%swap3A_280, %swap3A_281] {strides = array<i32>} : memref<8x4096xf32, #tpu.memory_space<vmem>>, vector<16xf32>,
        tpu.vector_store %arg6[%swap3A_280, %swap3A_281], %gather3A_211 {strides = array<i32>} : memref<8x4096xf32, #tpu.memory_space<vmem>>, vector<16xf32>,
        %mul3A_283 = arith.constant 8 : i32
        %mul3A_284 = arith.muli %scan3A_252, %mul3A_283 : i32
        %add3A_285 = arith.constant 3 : i32
        %add3A_286 = arith.addi %mul3A_284, %add3A_285 : i32
        %mul3A_287 = arith.constant 16 : i32
        %mul3A_288 = arith.muli %add3A_286, %mul3A_287 : i32
        %swap3A_289 = arith.constant 5 : i32
        %swap3A_290 = arith.index_cast %swap3A_289 : i32 to index
        %swap3A_291 = arith.index_cast %mul3A_288 : i32 to index
        %swap3A_292 = tpu.vector_load %arg6[%swap3A_290, %swap3A_291] {strides = array<i32>} : memref<8x4096xf32, #tpu.memory_space<vmem>>, vector<16xf32>,
        tpu.vector_store %arg6[%swap3A_290, %swap3A_291], %gather3A_211 {strides = array<i32>} : memref<8x4096xf32, #tpu.memory_space<vmem>>, vector<16xf32>,
        %mul3A_293 = arith.constant 8 : i32
        %mul3A_294 = arith.muli %scan3A_252, %mul3A_293 : i32
        %add3A_295 = arith.constant 4 : i32
        %add3A_296 = arith.addi %mul3A_294, %add3A_295 : i32
        %mul3A_297 = arith.constant 16 : i32
        %mul3A_298 = arith.muli %add3A_296, %mul3A_297 : i32
        %swap3A_299 = arith.constant 5 : i32
        %swap3A_300 = arith.index_cast %swap3A_299 : i32 to index
        %swap3A_301 = arith.index_cast %mul3A_298 : i32 to index
        %swap3A_302 = tpu.vector_load %arg6[%swap3A_300, %swap3A_301] {strides = array<i32>} : memref<8x4096xf32, #tpu.memory_space<vmem>>, vector<16xf32>,
        tpu.vector_store %arg6[%swap3A_300, %swap3A_301], %gather3A_211 {strides = array<i32>} : memref<8x4096xf32, #tpu.memory_space<vmem>>, vector<16xf32>,
        %mul3A_303 = arith.constant 8 : i32
        %mul3A_304 = arith.muli %scan3A_252, %mul3A_303 : i32
        %add3A_305 = arith.constant 5 : i32
        %add3A_306 = arith.addi %mul3A_304, %add3A_305 : i32
        %mul3A_307 = arith.constant 16 : i32
        %mul3A_308 = arith.muli %add3A_306, %mul3A_307 : i32
        %swap3A_309 = arith.constant 5 : i32
        %swap3A_310 = arith.index_cast %swap3A_309 : i32 to index
        %swap3A_311 = arith.index_cast %mul3A_308 : i32 to index
        %swap3A_312 = tpu.vector_load %arg6[%swap3A_310, %swap3A_311] {strides = array<i32>} : memref<8x4096xf32, #tpu.memory_space<vmem>>, vector<16xf32>,
        tpu.vector_store %arg6[%swap3A_310, %swap3A_311], %gather3A_211 {strides = array<i32>} : memref<8x4096xf32, #tpu.memory_space<vmem>>, vector<16xf32>,
        %mul3A_313 = arith.constant 8 : i32
        %mul3A_314 = arith.muli %scan3A_252, %mul3A_313 : i32
        %add3A_315 = arith.constant 6 : i32
        %add3A_316 = arith.addi %mul3A_314, %add3A_315 : i32
        %mul3A_317 = arith.constant 16 : i32
        %mul3A_318 = arith.muli %add3A_316, %mul3A_317 : i32
        %swap3A_319 = arith.constant 5 : i32
        %swap3A_320 = arith.index_cast %swap3A_319 : i32 to index
        %swap3A_321 = arith.index_cast %mul3A_318 : i32 to index
        %swap3A_322 = tpu.vector_load %arg6[%swap3A_320, %swap3A_321] {strides = array<i32>} : memref<8x4096xf32, #tpu.memory_space<vmem>>, vector<16xf32>,
        tpu.vector_store %arg6[%swap3A_320, %swap3A_321], %gather3A_211 {strides = array<i32>} : memref<8x4096xf32, #tpu.memory_space<vmem>>, vector<16xf32>,
        %mul3A_323 = arith.constant 8 : i32
        %mul3A_324 = arith.muli %scan3A_252, %mul3A_323 : i32
        %add3A_325 = arith.constant 7 : i32
        %add3A_326 = arith.addi %mul3A_324, %add3A_325 : i32
        %mul3A_327 = arith.constant 16 : i32
        %mul3A_328 = arith.muli %add3A_326, %mul3A_327 : i32
        %swap3A_329 = arith.constant 5 : i32
        %swap3A_330 = arith.index_cast %swap3A_329 : i32 to index
        %swap3A_331 = arith.index_cast %mul3A_328 : i32 to index
        %swap3A_332 = tpu.vector_load %arg6[%swap3A_330, %swap3A_331] {strides = array<i32>} : memref<8x4096xf32, #tpu.memory_space<vmem>>, vector<16xf32>,
        tpu.vector_store %arg6[%swap3A_330, %swap3A_331], %gather3A_211 {strides = array<i32>} : memref<8x4096xf32, #tpu.memory_space<vmem>>, vector<16xf32>,
        %scan3A_333 = arith.constant 0 : i32
        scf.yield %scan3A_333 : i32
      }
      %scan3A_218 = arith.constant 32 : i32
      %mul3A_219 = arith.constant 8 : i32
      %mul3A_220 = arith.muli %add3A_31, %mul3A_219 : i32
      %add3A_221 = arith.constant 6 : i32
      %add3A_222 = arith.addi %mul3A_220, %add3A_221 : i32
      %broadcast_in_dim3A_223 = vector.broadcast %add3A_222 : i32 to vector<16xi32>
      %gather3A_224 = tpu.vector_load_idx %arg4[%broadcast_in_dim3A_223] : memref<12800xf32, #tpu.memory_space<vmem>>[vector<16xi32>], vector<16xf32>,
      %scan3A_225 = arith.constant 0 : i32
      %scan3A_226 = arith.constant 0 : i32
      %scan3A_227 = arith.constant 32 : i32
      %scan3A_228 = arith.addi %scan3A_226, %scan3A_227 : i32
      %scan3A_229 = arith.constant 1 : i32
      %scan3A_230 = scf.for %scan3A_252 = %scan3A_226 to %scan3A_228 step %scan3A_229 iter_args(%scan3A_253 = %scan3A_225) -> (i32)  : i32 {
        %mul3A_254 = arith.constant 8 : i32
        %mul3A_255 = arith.muli %scan3A_252, %mul3A_254 : i32
        %add3A_256 = arith.constant 0 : i32
        %add3A_257 = arith.addi %mul3A_255, %add3A_256 : i32
        %mul3A_258 = arith.constant 16 : i32
        %mul3A_259 = arith.muli %add3A_257, %mul3A_258 : i32
        %swap3A = arith.constant 6 : i32
        %swap3A_260 = arith.index_cast %swap3A : i32 to index
        %swap3A_261 = arith.index_cast %mul3A_259 : i32 to index
        %swap3A_262 = tpu.vector_load %arg6[%swap3A_260, %swap3A_261] {strides = array<i32>} : memref<8x4096xf32, #tpu.memory_space<vmem>>, vector<16xf32>,
        tpu.vector_store %arg6[%swap3A_260, %swap3A_261], %gather3A_224 {strides = array<i32>} : memref<8x4096xf32, #tpu.memory_space<vmem>>, vector<16xf32>,
        %mul3A_263 = arith.constant 8 : i32
        %mul3A_264 = arith.muli %scan3A_252, %mul3A_263 : i32
        %add3A_265 = arith.constant 1 : i32
        %add3A_266 = arith.addi %mul3A_264, %add3A_265 : i32
        %mul3A_267 = arith.constant 16 : i32
        %mul3A_268 = arith.muli %add3A_266, %mul3A_267 : i32
        %swap3A_269 = arith.constant 6 : i32
        %swap3A_270 = arith.index_cast %swap3A_269 : i32 to index
        %swap3A_271 = arith.index_cast %mul3A_268 : i32 to index
        %swap3A_272 = tpu.vector_load %arg6[%swap3A_270, %swap3A_271] {strides = array<i32>} : memref<8x4096xf32, #tpu.memory_space<vmem>>, vector<16xf32>,
        tpu.vector_store %arg6[%swap3A_270, %swap3A_271], %gather3A_224 {strides = array<i32>} : memref<8x4096xf32, #tpu.memory_space<vmem>>, vector<16xf32>,
        %mul3A_273 = arith.constant 8 : i32
        %mul3A_274 = arith.muli %scan3A_252, %mul3A_273 : i32
        %add3A_275 = arith.constant 2 : i32
        %add3A_276 = arith.addi %mul3A_274, %add3A_275 : i32
        %mul3A_277 = arith.constant 16 : i32
        %mul3A_278 = arith.muli %add3A_276, %mul3A_277 : i32
        %swap3A_279 = arith.constant 6 : i32
        %swap3A_280 = arith.index_cast %swap3A_279 : i32 to index
        %swap3A_281 = arith.index_cast %mul3A_278 : i32 to index
        %swap3A_282 = tpu.vector_load %arg6[%swap3A_280, %swap3A_281] {strides = array<i32>} : memref<8x4096xf32, #tpu.memory_space<vmem>>, vector<16xf32>,
        tpu.vector_store %arg6[%swap3A_280, %swap3A_281], %gather3A_224 {strides = array<i32>} : memref<8x4096xf32, #tpu.memory_space<vmem>>, vector<16xf32>,
        %mul3A_283 = arith.constant 8 : i32
        %mul3A_284 = arith.muli %scan3A_252, %mul3A_283 : i32
        %add3A_285 = arith.constant 3 : i32
        %add3A_286 = arith.addi %mul3A_284, %add3A_285 : i32
        %mul3A_287 = arith.constant 16 : i32
        %mul3A_288 = arith.muli %add3A_286, %mul3A_287 : i32
        %swap3A_289 = arith.constant 6 : i32
        %swap3A_290 = arith.index_cast %swap3A_289 : i32 to index
        %swap3A_291 = arith.index_cast %mul3A_288 : i32 to index
        %swap3A_292 = tpu.vector_load %arg6[%swap3A_290, %swap3A_291] {strides = array<i32>} : memref<8x4096xf32, #tpu.memory_space<vmem>>, vector<16xf32>,
        tpu.vector_store %arg6[%swap3A_290, %swap3A_291], %gather3A_224 {strides = array<i32>} : memref<8x4096xf32, #tpu.memory_space<vmem>>, vector<16xf32>,
        %mul3A_293 = arith.constant 8 : i32
        %mul3A_294 = arith.muli %scan3A_252, %mul3A_293 : i32
        %add3A_295 = arith.constant 4 : i32
        %add3A_296 = arith.addi %mul3A_294, %add3A_295 : i32
        %mul3A_297 = arith.constant 16 : i32
        %mul3A_298 = arith.muli %add3A_296, %mul3A_297 : i32
        %swap3A_299 = arith.constant 6 : i32
        %swap3A_300 = arith.index_cast %swap3A_299 : i32 to index
        %swap3A_301 = arith.index_cast %mul3A_298 : i32 to index
        %swap3A_302 = tpu.vector_load %arg6[%swap3A_300, %swap3A_301] {strides = array<i32>} : memref<8x4096xf32, #tpu.memory_space<vmem>>, vector<16xf32>,
        tpu.vector_store %arg6[%swap3A_300, %swap3A_301], %gather3A_224 {strides = array<i32>} : memref<8x4096xf32, #tpu.memory_space<vmem>>, vector<16xf32>,
        %mul3A_303 = arith.constant 8 : i32
        %mul3A_304 = arith.muli %scan3A_252, %mul3A_303 : i32
        %add3A_305 = arith.constant 5 : i32
        %add3A_306 = arith.addi %mul3A_304, %add3A_305 : i32
        %mul3A_307 = arith.constant 16 : i32
        %mul3A_308 = arith.muli %add3A_306, %mul3A_307 : i32
        %swap3A_309 = arith.constant 6 : i32
        %swap3A_310 = arith.index_cast %swap3A_309 : i32 to index
        %swap3A_311 = arith.index_cast %mul3A_308 : i32 to index
        %swap3A_312 = tpu.vector_load %arg6[%swap3A_310, %swap3A_311] {strides = array<i32>} : memref<8x4096xf32, #tpu.memory_space<vmem>>, vector<16xf32>,
        tpu.vector_store %arg6[%swap3A_310, %swap3A_311], %gather3A_224 {strides = array<i32>} : memref<8x4096xf32, #tpu.memory_space<vmem>>, vector<16xf32>,
        %mul3A_313 = arith.constant 8 : i32
        %mul3A_314 = arith.muli %scan3A_252, %mul3A_313 : i32
        %add3A_315 = arith.constant 6 : i32
        %add3A_316 = arith.addi %mul3A_314, %add3A_315 : i32
        %mul3A_317 = arith.constant 16 : i32
        %mul3A_318 = arith.muli %add3A_316, %mul3A_317 : i32
        %swap3A_319 = arith.constant 6 : i32
        %swap3A_320 = arith.index_cast %swap3A_319 : i32 to index
        %swap3A_321 = arith.index_cast %mul3A_318 : i32 to index
        %swap3A_322 = tpu.vector_load %arg6[%swap3A_320, %swap3A_321] {strides = array<i32>} : memref<8x4096xf32, #tpu.memory_space<vmem>>, vector<16xf32>,
        tpu.vector_store %arg6[%swap3A_320, %swap3A_321], %gather3A_224 {strides = array<i32>} : memref<8x4096xf32, #tpu.memory_space<vmem>>, vector<16xf32>,
        %mul3A_323 = arith.constant 8 : i32
        %mul3A_324 = arith.muli %scan3A_252, %mul3A_323 : i32
        %add3A_325 = arith.constant 7 : i32
        %add3A_326 = arith.addi %mul3A_324, %add3A_325 : i32
        %mul3A_327 = arith.constant 16 : i32
        %mul3A_328 = arith.muli %add3A_326, %mul3A_327 : i32
        %swap3A_329 = arith.constant 6 : i32
        %swap3A_330 = arith.index_cast %swap3A_329 : i32 to index
        %swap3A_331 = arith.index_cast %mul3A_328 : i32 to index
        %swap3A_332 = tpu.vector_load %arg6[%swap3A_330, %swap3A_331] {strides = array<i32>} : memref<8x4096xf32, #tpu.memory_space<vmem>>, vector<16xf32>,
        tpu.vector_store %arg6[%swap3A_330, %swap3A_331], %gather3A_224 {strides = array<i32>} : memref<8x4096xf32, #tpu.memory_space<vmem>>, vector<16xf32>,
        %scan3A_333 = arith.constant 0 : i32
        scf.yield %scan3A_333 : i32
      }
      %scan3A_231 = arith.constant 32 : i32
      %mul3A_232 = arith.constant 8 : i32
      %mul3A_233 = arith.muli %add3A_31, %mul3A_232 : i32
      %add3A_234 = arith.constant 7 : i32
      %add3A_235 = arith.addi %mul3A_233, %add3A_234 : i32
      %broadcast_in_dim3A_236 = vector.broadcast %add3A_235 : i32 to vector<16xi32>
      %gather3A_237 = tpu.vector_load_idx %arg4[%broadcast_in_dim3A_236] : memref<12800xf32, #tpu.memory_space<vmem>>[vector<16xi32>], vector<16xf32>,
      %scan3A_238 = arith.constant 0 : i32
      %scan3A_239 = arith.constant 0 : i32
      %scan3A_240 = arith.constant 32 : i32
      %scan3A_241 = arith.addi %scan3A_239, %scan3A_240 : i32
      %scan3A_242 = arith.constant 1 : i32
      %scan3A_243 = scf.for %scan3A_252 = %scan3A_239 to %scan3A_241 step %scan3A_242 iter_args(%scan3A_253 = %scan3A_238) -> (i32)  : i32 {
        %mul3A_254 = arith.constant 8 : i32
        %mul3A_255 = arith.muli %scan3A_252, %mul3A_254 : i32
        %add3A_256 = arith.constant 0 : i32
        %add3A_257 = arith.addi %mul3A_255, %add3A_256 : i32
        %mul3A_258 = arith.constant 16 : i32
        %mul3A_259 = arith.muli %add3A_257, %mul3A_258 : i32
        %swap3A = arith.constant 7 : i32
        %swap3A_260 = arith.index_cast %swap3A : i32 to index
        %swap3A_261 = arith.index_cast %mul3A_259 : i32 to index
        %swap3A_262 = tpu.vector_load %arg6[%swap3A_260, %swap3A_261] {strides = array<i32>} : memref<8x4096xf32, #tpu.memory_space<vmem>>, vector<16xf32>,
        tpu.vector_store %arg6[%swap3A_260, %swap3A_261], %gather3A_237 {strides = array<i32>} : memref<8x4096xf32, #tpu.memory_space<vmem>>, vector<16xf32>,
        %mul3A_263 = arith.constant 8 : i32
        %mul3A_264 = arith.muli %scan3A_252, %mul3A_263 : i32
        %add3A_265 = arith.constant 1 : i32
        %add3A_266 = arith.addi %mul3A_264, %add3A_265 : i32
        %mul3A_267 = arith.constant 16 : i32
        %mul3A_268 = arith.muli %add3A_266, %mul3A_267 : i32
        %swap3A_269 = arith.constant 7 : i32
        %swap3A_270 = arith.index_cast %swap3A_269 : i32 to index
        %swap3A_271 = arith.index_cast %mul3A_268 : i32 to index
        %swap3A_272 = tpu.vector_load %arg6[%swap3A_270, %swap3A_271] {strides = array<i32>} : memref<8x4096xf32, #tpu.memory_space<vmem>>, vector<16xf32>,
        tpu.vector_store %arg6[%swap3A_270, %swap3A_271], %gather3A_237 {strides = array<i32>} : memref<8x4096xf32, #tpu.memory_space<vmem>>, vector<16xf32>,
        %mul3A_273 = arith.constant 8 : i32
        %mul3A_274 = arith.muli %scan3A_252, %mul3A_273 : i32
        %add3A_275 = arith.constant 2 : i32
        %add3A_276 = arith.addi %mul3A_274, %add3A_275 : i32
        %mul3A_277 = arith.constant 16 : i32
        %mul3A_278 = arith.muli %add3A_276, %mul3A_277 : i32
        %swap3A_279 = arith.constant 7 : i32
        %swap3A_280 = arith.index_cast %swap3A_279 : i32 to index
        %swap3A_281 = arith.index_cast %mul3A_278 : i32 to index
        %swap3A_282 = tpu.vector_load %arg6[%swap3A_280, %swap3A_281] {strides = array<i32>} : memref<8x4096xf32, #tpu.memory_space<vmem>>, vector<16xf32>,
        tpu.vector_store %arg6[%swap3A_280, %swap3A_281], %gather3A_237 {strides = array<i32>} : memref<8x4096xf32, #tpu.memory_space<vmem>>, vector<16xf32>,
        %mul3A_283 = arith.constant 8 : i32
        %mul3A_284 = arith.muli %scan3A_252, %mul3A_283 : i32
        %add3A_285 = arith.constant 3 : i32
        %add3A_286 = arith.addi %mul3A_284, %add3A_285 : i32
        %mul3A_287 = arith.constant 16 : i32
        %mul3A_288 = arith.muli %add3A_286, %mul3A_287 : i32
        %swap3A_289 = arith.constant 7 : i32
        %swap3A_290 = arith.index_cast %swap3A_289 : i32 to index
        %swap3A_291 = arith.index_cast %mul3A_288 : i32 to index
        %swap3A_292 = tpu.vector_load %arg6[%swap3A_290, %swap3A_291] {strides = array<i32>} : memref<8x4096xf32, #tpu.memory_space<vmem>>, vector<16xf32>,
        tpu.vector_store %arg6[%swap3A_290, %swap3A_291], %gather3A_237 {strides = array<i32>} : memref<8x4096xf32, #tpu.memory_space<vmem>>, vector<16xf32>,
        %mul3A_293 = arith.constant 8 : i32
        %mul3A_294 = arith.muli %scan3A_252, %mul3A_293 : i32
        %add3A_295 = arith.constant 4 : i32
        %add3A_296 = arith.addi %mul3A_294, %add3A_295 : i32
        %mul3A_297 = arith.constant 16 : i32
        %mul3A_298 = arith.muli %add3A_296, %mul3A_297 : i32
        %swap3A_299 = arith.constant 7 : i32
        %swap3A_300 = arith.index_cast %swap3A_299 : i32 to index
        %swap3A_301 = arith.index_cast %mul3A_298 : i32 to index
        %swap3A_302 = tpu.vector_load %arg6[%swap3A_300, %swap3A_301] {strides = array<i32>} : memref<8x4096xf32, #tpu.memory_space<vmem>>, vector<16xf32>,
        tpu.vector_store %arg6[%swap3A_300, %swap3A_301], %gather3A_237 {strides = array<i32>} : memref<8x4096xf32, #tpu.memory_space<vmem>>, vector<16xf32>,
        %mul3A_303 = arith.constant 8 : i32
        %mul3A_304 = arith.muli %scan3A_252, %mul3A_303 : i32
        %add3A_305 = arith.constant 5 : i32
        %add3A_306 = arith.addi %mul3A_304, %add3A_305 : i32
        %mul3A_307 = arith.constant 16 : i32
        %mul3A_308 = arith.muli %add3A_306, %mul3A_307 : i32
        %swap3A_309 = arith.constant 7 : i32
        %swap3A_310 = arith.index_cast %swap3A_309 : i32 to index
        %swap3A_311 = arith.index_cast %mul3A_308 : i32 to index
        %swap3A_312 = tpu.vector_load %arg6[%swap3A_310, %swap3A_311] {strides = array<i32>} : memref<8x4096xf32, #tpu.memory_space<vmem>>, vector<16xf32>,
        tpu.vector_store %arg6[%swap3A_310, %swap3A_311], %gather3A_237 {strides = array<i32>} : memref<8x4096xf32, #tpu.memory_space<vmem>>, vector<16xf32>,
        %mul3A_313 = arith.constant 8 : i32
        %mul3A_314 = arith.muli %scan3A_252, %mul3A_313 : i32
        %add3A_315 = arith.constant 6 : i32
        %add3A_316 = arith.addi %mul3A_314, %add3A_315 : i32
        %mul3A_317 = arith.constant 16 : i32
        %mul3A_318 = arith.muli %add3A_316, %mul3A_317 : i32
        %swap3A_319 = arith.constant 7 : i32
        %swap3A_320 = arith.index_cast %swap3A_319 : i32 to index
        %swap3A_321 = arith.index_cast %mul3A_318 : i32 to index
        %swap3A_322 = tpu.vector_load %arg6[%swap3A_320, %swap3A_321] {strides = array<i32>} : memref<8x4096xf32, #tpu.memory_space<vmem>>, vector<16xf32>,
        tpu.vector_store %arg6[%swap3A_320, %swap3A_321], %gather3A_237 {strides = array<i32>} : memref<8x4096xf32, #tpu.memory_space<vmem>>, vector<16xf32>,
        %mul3A_323 = arith.constant 8 : i32
        %mul3A_324 = arith.muli %scan3A_252, %mul3A_323 : i32
        %add3A_325 = arith.constant 7 : i32
        %add3A_326 = arith.addi %mul3A_324, %add3A_325 : i32
        %mul3A_327 = arith.constant 16 : i32
        %mul3A_328 = arith.muli %add3A_326, %mul3A_327 : i32
        %swap3A_329 = arith.constant 7 : i32
        %swap3A_330 = arith.index_cast %swap3A_329 : i32 to index
        %swap3A_331 = arith.index_cast %mul3A_328 : i32 to index
        %swap3A_332 = tpu.vector_load %arg6[%swap3A_330, %swap3A_331] {strides = array<i32>} : memref<8x4096xf32, #tpu.memory_space<vmem>>, vector<16xf32>,
        tpu.vector_store %arg6[%swap3A_330, %swap3A_331], %gather3A_237 {strides = array<i32>} : memref<8x4096xf32, #tpu.memory_space<vmem>>, vector<16xf32>,
        %scan3A_333 = arith.constant 0 : i32
        scf.yield %scan3A_333 : i32
      }
      %scan3A_244 = arith.constant 32 : i32
      %mul3A_245 = arith.constant 8 : i32
      %mul3A_246 = arith.muli %add3A_31, %mul3A_245 : i32
      %dma_start3A_247 = arith.constant 0 : i32
      %dma_start3A_248 = tpu.memref_slice %arg3[%mul3A_246, %dma_start3A_247] : memref<12800x4096xf32, #tpu.memory_space<hbm>> -> memref<8x4096xf32, #tpu.memory_space<hbm>>
      %dma_start3A_249 = arith.constant 0 : i32
      %dma_start3A_250 = tpu.memref_slice %arg3[%mul3A_246, %dma_start3A_249] : memref<12800x4096xf32, #tpu.memory_space<hbm>> -> memref<8x4096xf32, #tpu.memory_space<hbm>>
      tpu.enqueue_dma source(%arg6 : memref<8x4096xf32, #tpu.memory_space<vmem>>) target(%dma_start3A_250 : memref<8x4096xf32, #tpu.memory_space<hbm>>) target_semaphore(%arg8 : memref<!tpu.dma_semaphore, #tpu.memory_space<semaphore_mem>>)
      %scan3A_251 = arith.constant 0 : i32
      scf.yield %scan3A_251 : i32
    }
    %scan3A_8 = arith.constant 25 : i32
    %add3A_9 = arith.constant 50 : i32
    %add3A_10 = arith.addi %mul3A_2, %add3A_9 : i32
    %sub3A = arith.constant 2 : i32
    %sub3A_11 = arith.subi %add3A_10, %sub3A : i32
    %mul3A_12 = arith.constant 8 : i32
    %mul3A_13 = arith.muli %sub3A_11, %mul3A_12 : i32
    %dma_wait3A = arith.constant 0 : i32
    %dma_wait3A_14 = tpu.memref_slice %arg3[%mul3A_13, %dma_wait3A] : memref<12800x4096xf32, #tpu.memory_space<hbm>> -> memref<8x4096xf32, #tpu.memory_space<hbm>>
    %dma_wait3A_15 = arith.constant 0 : i32
    %dma_wait3A_16 = tpu.memref_slice %arg3[%mul3A_13, %dma_wait3A_15] : memref<12800x4096xf32, #tpu.memory_space<hbm>> -> memref<8x4096xf32, #tpu.memory_space<hbm>>
    tpu.wait_dma2 semaphore(%arg7 : memref<!tpu.dma_semaphore, #tpu.memory_space<semaphore_mem>>) src(%arg5 : memref<8x4096xf32, #tpu.memory_space<vmem>>) dst(%dma_wait3A_16 : memref<8x4096xf32, #tpu.memory_space<hbm>>)
    %add3A_17 = arith.constant 1 : i32
    %add3A_18 = arith.addi %sub3A_11, %add3A_17 : i32
    %mul3A_19 = arith.constant 8 : i32
    %mul3A_20 = arith.muli %add3A_18, %mul3A_19 : i32
    %dma_wait3A_21 = arith.constant 0 : i32
    %dma_wait3A_22 = tpu.memref_slice %arg3[%mul3A_20, %dma_wait3A_21] : memref<12800x4096xf32, #tpu.memory_space<hbm>> -> memref<8x4096xf32, #tpu.memory_space<hbm>>
    %dma_wait3A_23 = arith.constant 0 : i32
    %dma_wait3A_24 = tpu.memref_slice %arg3[%mul3A_20, %dma_wait3A_23] : memref<12800x4096xf32, #tpu.memory_space<hbm>> -> memref<8x4096xf32, #tpu.memory_space<hbm>>
    tpu.wait_dma2 semaphore(%arg8 : memref<!tpu.dma_semaphore, #tpu.memory_space<semaphore_mem>>) src(%arg6 : memref<8x4096xf32, #tpu.memory_space<vmem>>) dst(%dma_wait3A_24 : memref<8x4096xf32, #tpu.memory_space<hbm>>)
    return
  }
}

</mosaic_0001>

<sc_bundles>
// kernel: kernel.3.cloned.1.call-start
scs
__scs_entry_jumppad:
0x0: {  	(pc) =	sbr.rel $0x88, $3  }
0x1: {  	(tag) =	ssettag $0x0;
	lr =	simm.s32 $0x1  }
0x2: {  	[smem:$0x3FA0] =	sst lr;
	_ =	strace $0xD0000000  }
0x3: {  	_ = 	snop  }
0x4: {  	_ = 	snop  }
0x5: {  	_ = 	snop  }
0x6: {  	_ = 	snop  }
0x7: {  	_ = 	snop  }
__scs_overlays_trampoline_lowered:
0x8: {  	[smem:$0x3FAF] =	sst s0  }
0x9: {  	[smem:$0x3FB0] =	sst s1  }
0xa: {  	[smem:$0x3FB1] =	sst s2  }
0xb: {  	[smem:$0x3FB2] =	sst s3  }
0xc: {  	[smem:$0x3FB3] =	sst s4  }
0xd: {  	[smem:$0x3FB4] =	sst s5  }
0xe: {  	[smem:$0x3FB5] =	sst s6  }
0xf: {  	[smem:$0x3FB6] =	sst s7  }
0x10: {  	[smem:$0x3FB7] =	sst s8  }
0x11: {  	[smem:$0x3FB8] =	sst s9;
	s0 =	simm.s32 @!p0 $0x0  }
0x12: {  	s1 =	sld [smem:$0x3F9E];
	s0 =	simm.s32 @p0 $0x1  }
0x13: {  	[smem:$0x3FB9] =	sst s0;
	s0 =	simm.s32 @!p1 $0x0  }
0x14: {  	s2 =	sld [smem:$0x3F9D];
	s0 =	simm.s32 @p1 $0x1  }
0x15: {  	[smem:$0x3FBA] =	sst s0;
	s0 =	simm.s32 @!p2 $0x0  }
0x16: {  	s3 =	sld [smem:$0x3FDB];
	s0 =	simm.s32 @p2 $0x1  }
0x17: {  	s4 =	simm.s32 $0x1BF5;
	[smem:$0x3FBC] =	sst s0  }
0x18: {  	s0 =	sld [smem:$0x3F9F];
	_ =	swait.ge [sflag:s4], $0x0  }
0x19: {  	s7 =	sld [smem:$0x3FA0]  }
0x1a: {  	s8 =	sadd.s32 $0xFFFFE003, lr  }
0x1b: {  	s9 =	sadd.s32 $0xFFFFFEF7, lr;
	s5 =	simm.s32 $0xFFFFFFFF;
	p2 =	slt.u32 s8, $0xFFFFF086  }
0x1c: {  	p1 =	slt.u32 s9, $0xF7A;
	s5 =	simm.s32 @!p2 $0x0  }
0x1d: {  	s5 =	simm.s32 @p1 $0x1;
	p0 =	seq.s32 s7, s2  }
0x1e: {  	s7 =	smul.u32 @!p0 $0xF7A, s2;
	p2 =	seq.s32 @!p0 s5, $0x0  }
0x1f: {  	s9 =	smul.u32 $0xF7A, s1;
	s8 =	simm.s32 @!p0 $0x1BF5;
	p2 =	por !p2, p0  }
0x20: {  	[sflag:s8] =	ssyncset.s32 @!p0 $0xFFFFF086;
	s6 =	sadd.s32 @!p0 s3, s7;
	s7 =	simm.s32 @!p0 $0x108  }
0x21: {  	s3 =	sadd.s32 s3, s9;
	s6 =	sadd.s32 @!p0 $0x88, s6;
	s7 =	simm.s32 @p2 $0x1082  }
0x22: {  	[simem:s7], [sflag:s8] =	dma.local @!p0 [hbm:s6], $0xF7A  }
0x23: {  	s9 =	sor.u32 $0xD0000000, s2;
	s6 =	simm.s32 $0x108;
	_ =	swait.ge @!p0 [sflag:s8], $0x0  }
0x24: {  	s3 =	sadd.s32 $0x88, s3;
	s6 =	simm.s32 @!p1 $0x1082;
	[sflag:s4] =	ssyncset.s32 $0xFFFFF086  }
0x25: {  	[simem:s6], [sflag:s4] =	dma.local [hbm:s3], $0xF7A  }
0x26: {  	[smem:$0x3FA0] =	sst s1;
	(tag) =	ssettag s2;
	_ =	strace s9  }
0x27: {  	s1 =	sld [smem:$0x3FB0]  }
0x28: {  	s2 =	sld [smem:$0x3FB1]  }
0x29: {  	s4 =	sld [smem:$0x3FB3]  }
0x2a: {  	p0 =	seq.s32 s5, $0x0;
	s5 =	sld [smem:$0x3FB4]  }
0x2b: {  	s6 =	sld [smem:$0x3FB5]  }
0x2c: {  	s7 =	sld [smem:$0x3FB6]  }
0x2d: {  	s3 =	simm.s32 $0x108;
	s8 =	sld [smem:$0x3FB7]  }
0x2e: {  	s3 =	simm.s32 @!p0 $0x1082;
	s9 =	sld [smem:$0x3FB8]  }
0x2f: {  	lr =	sadd.s32 s0, s3;
	s0 =	sld [smem:$0x3FAF]  }
0x30: {  	s3 =	sld [smem:$0x3FB2]  }
0x31: {  	[smem:$0x3FBB] =	sst s10  }
0x32: {  	s10 =	sld [smem:$0x3FB9];
	_ =	sdelay $0x3  }
0x33: {  	p0 =	seq.s32 s10, $0x1;
	s10 =	sld [smem:$0x3FBB];
	_ =	sdelay $0x3  }
0x34: {  	[smem:$0x3FBB] =	sst s10  }
0x35: {  	s10 =	sld [smem:$0x3FBA];
	_ =	sdelay $0x3  }
0x36: {  	p1 =	seq.s32 s10, $0x1;
	s10 =	sld [smem:$0x3FBB];
	_ =	sdelay $0x3  }
0x37: {  	[smem:$0x3FBB] =	sst s10  }
0x38: {  	s10 =	sld [smem:$0x3FBC]  }
0x39: {  	_ = 	snop;
	(pc) =	sbr.ind lr, $3  }
0x3a: {  	_ = 	snop  }
0x3b: {  	_ = 	snop  }
0x3c: {  	p2 =	seq.s32 s10, $0x1;
	s10 =	sld [smem:$0x3FBB]  }
0x3d: {  	_ =	shalt  }
0x3e: {  	_ =	shalt  }
0x3f: {  	_ =	shalt  }
0x40: {  	_ =	shalt  }
0x41: {  	_ =	shalt  }
0x42: {  	_ =	shalt  }
0x43: {  	_ =	shalt  }
0x44: {  	_ =	shalt  }
0x45: {  	_ =	shalt  }
0x46: {  	_ =	shalt  }
0x47: {  	_ =	shalt  }
0x48: {  	_ =	shalt  }
0x49: {  	_ =	shalt  }
0x4a: {  	_ =	shalt  }
0x4b: {  	_ =	shalt  }
0x4c: {  	_ =	shalt  }
0x4d: {  	_ =	shalt  }
0x4e: {  	_ =	shalt  }
0x4f: {  	_ =	shalt  }
0x50: {  	_ =	shalt  }
0x51: {  	_ =	shalt  }
0x52: {  	_ =	shalt  }
0x53: {  	_ =	shalt  }
0x54: {  	_ =	shalt  }
0x55: {  	_ =	shalt  }
0x56: {  	_ =	shalt  }
0x57: {  	_ =	shalt  }
0x58: {  	_ =	shalt  }
0x59: {  	_ =	shalt  }
0x5a: {  	_ =	shalt  }
0x5b: {  	_ =	shalt  }
0x5c: {  	_ =	shalt  }
0x5d: {  	_ =	shalt  }
0x5e: {  	_ =	shalt  }
0x5f: {  	_ =	shalt  }
0x60: {  	_ =	shalt  }
0x61: {  	_ =	shalt  }
0x62: {  	_ =	shalt  }
0x63: {  	_ =	shalt  }
0x64: {  	_ =	shalt  }
0x65: {  	_ =	shalt  }
0x66: {  	_ =	shalt  }
0x67: {  	_ =	shalt  }
0x68: {  	_ =	shalt  }
0x69: {  	_ =	shalt  }
0x6a: {  	_ =	shalt  }
0x6b: {  	_ =	shalt  }
0x6c: {  	_ =	shalt  }
0x6d: {  	_ =	shalt  }
0x6e: {  	_ =	shalt  }
0x6f: {  	_ =	shalt  }
0x70: {  	_ =	shalt  }
0x71: {  	_ =	shalt  }
0x72: {  	_ =	shalt  }
0x73: {  	_ =	shalt  }
0x74: {  	_ =	shalt  }
0x75: {  	_ =	shalt  }
0x76: {  	_ =	shalt  }
0x77: {  	_ =	shalt  }
0x78: {  	_ =	shalt  }
0x79: {  	_ =	shalt  }
0x7a: {  	_ =	shalt  }
0x7b: {  	_ =	shalt  }
0x7c: {  	_ =	shalt  }
0x7d: {  	_ =	shalt  }
0x7e: {  	_ =	shalt  }
0x7f: {  	_ =	shalt  }
0x80: {  	_ =	shalt  }
0x81: {  	_ =	shalt  }
0x82: {  	_ =	shalt  }
0x83: {  	_ =	shalt  }
0x84: {  	_ =	shalt  }
0x85: {  	_ =	shalt  }
0x86: {  	_ =	shalt  }
0x87: {  	_ =	shalt  }
.Lfunc_end0:
.L_simem_size_0:
called_computation_lowered:
.L_overlay_start_0:
0x88: {  	s2 =	sld [smem:$0x3FD9]  }
0x89: {  	s3 =	sld [smem:$0x3FFE];
	_ =	sdelay $0x1  }
0x8a: {  	s1 =	srdreg.scid  }
0x8b: {  	s0 =	sand.u32 $0x1, s1  }
0x8c: {  	s17 =	sshll.u32 s0, $0xA;
	s2 =	sadd.s32 s3, s2  }
0x8d: {  	s2 =	sadd.s32 s2, s17  }
0x8e: {  	[smem:$0x3FC7] =	sst s2  }
0x8f: {  	_ = 	snop  }
0x90: {  	s2 =	sld [smem:$0x3FD0];
	(tm) =	ssettm $0x1  }
0x91: {  	s18 =	sld [smem:$0x3FFB];
	_ =	sdelay $0x3  }
0x92: {  	_ =	strace s18  }
0x93: {  	s3 =	sld [smem:$0x3FFC];
	_ =	sdelay $0x3  }
0x94: {  	_ =	strace s3  }
0x95: {  	s3 =	sld [smem:$0x3FFD];
	_ =	sdelay $0x3  }
0x96: {  	_ =	strace s3  }
0x97: {  	_ =	strace $0x8FFFFFFF  }
0x98: {  	s19 =	sld [smem:$0x3FDB];
	_ =	sdelay $0x1  }
0x99: {  	s4 =	simm.s32 $_scs_section_size  }
0x9a: {  	s5 =	simm.s32 $_size__tile_overlayer_lowered;
	s6 =	simm.s32 $_tile_overlayer_lowered  }
0x9b: {  	s22 =	simm.s32 $0x1BFF;
	s21 =	sshll.u32 s6, $0x1;
	s3 =	sadd.s32 s4, s19  }
0x9c: {  	s7 =	simm.s32 $0x0;
	s20 =	sshll.u32 s5, $0x1;
	s5 =	sadd.s32 s21, s3  }
0x9d: {  	[timem:s7], [sflag:s22] =	dma.local [hbm:s5], s20  }
0x9e: {  	_ =	swait.ge [sflag:s22], s20  }
0x9f: {  	s4 =	ssub.s32 $0x0, s20;
	[sflag:s22] =	ssyncset.done $0x0  }
0xa0: {  	[sflag:s22] =	ssyncadd.s32 s4;
	_ =	sdelay $0x1  }
0xa1: {  	s23 =	simm.s32 $0x1B8B  }
0xa2: {  	_ =	swait.ge [sflag:s23], $0x1  }
0xa3: {  	[sflag:s23] =	ssyncset.done $0x0  }
0xa4: {  	s25 =	simm.s32 $0x1B8E;
	s24 =	sld [smem:$0x3FFE];
	[sflag:s23] =	ssyncadd.s32 $0xFFFFFFFF  }
0xa5: {  	s26 =	simm.s32 $execute0_lowered;
	[smem:$0x3FD2] =	sst s25  }
0xa6: {  	s5 =	sshll.u32 s26, $0x1;
	_ =	strace $0x80000046;
	[dreg:$0x1] =	wrdreg $0xFFFFFFFF  }
0xa7: {  	s28 =	simm.s32 $_size_execute0_lowered;
	s3 =	sadd.s32 s3, s5;
	[dreg:$0x0] =	wrdreg $0x0  }
0xa8: {  	s5 =	sshll.u32 s28, $0x1;
	[dreg:$0x2] =	wrdreg s3  }
0xa9: {  	[dreg:$0x3] =	wrdreg s5  }
0xaa: {  	[dreg:$0x4] =	wrdreg $0xC0  }
0xab: {  	_ =	task [dreg:s7], $0x5FFFF  }
0xac: {  	[dreg:$0x1] =	wrdreg $0xFFFFFFFF  }
0xad: {  	[dreg:$0x0] =	wrdreg $0x60  }
0xae: {  	[dreg:$0x2] =	wrdreg s24  }
0xaf: {  	[dreg:$0x3] =	wrdreg s2  }
0xb0: {  	[dreg:$0x4] =	wrdreg $0x9  }
0xb1: {  	_ =	task.clear_ibuf [dreg:s7], $0x5FFFF;
	_ =	strace $0x90000046  }
0xb2: {  	s29 =	simm.s32 $0x9;
	_ =	strace $0x80000048  }
0xb3: {  	_ =	swait.ge [sflag:s29], $0x1  }
0xb4: {  	[sflag:s29] =	ssyncadd.s32 $0xFFFFFFFF  }
0xb5: {  	_ =	strace $0x90000048  }
0xb6: {  	_ =	sfence  }
0xb7: {  	s30 =	sld [smem:$0x0];
	_ =	sdelay $0x2  }
0xb8: {  	s31 =	sshll.u32 s1, $0xD;
	s1 =	sshrl.u32 s1, $0x2  }
0xb9: {  	s3 =	sand.u32 $0x4000, s31;
	s1 =	sadd.s32 s1, s30  }
0xba: {  	s0 =	sor.u32 s3, s0;
	s1 =	sshll.u32 s1, $0x11  }
0xbb: {  	s0 =	sor.u32 s1, s0  }
0xbc: {  	s0 =	sadd.s32 $0x8F2B, s0  }
0xbd: {  	[sflag:s0] =	ssyncadd.remote.s32 $0x1  }
0xbe: {  	_ =	sfence.sel $0xFFFF  }
0xbf: {  	[dreg:$0x0] =	wrdreg $0xFFFFFFFF;
	(pc) =	sbr.abs _section_cstart, $3  }
0xc0: {  	[dreg:$0x1] =	wrdreg $0xFFFFFFFF  }
0xc1: {  	_ =	task.clear_ibuf [dreg:s7], $0x2FFFF;
	_ =	strace $0x9FFFFFFF  }
0xc2: {  	(tm) =	ssettm $0x7FFFFFFF  }
0xc3: {  	_ =	shalt  }
tec
execute0_lowered:
.L_overlay_start_1:
0x0: {  	(tag) =	ssettag $0x1  }
0x1: {  	s4 =	rddreg [dreg:$0x0]  }
0x2: {  	s1 =	rddreg [dreg:$0x1]  }
0x3: {  	s2 =	srdreg.scid;
	s0 =	rddreg [dreg:$0x2];
	s3 =	simm.s32 $0x0  }
0x4: {  	s9 =	simm.s32 $0xB200;
	s10 =	simm.s32 $0x1;
	s11 =	simm.s32 $0x2  }
0x5: {  	s12 =	simm.s32 $0x0;
	s5 =	sand.u32 $0x1, s2;
	s2 =	stileid.u32  }
0x6: {  	[smem:$0x7FF] =	sst s3;
	s4 =	sadd.s32 $0x400, s4;
	s6 =	ssub.s32 $0x2, s5  }
0x7: {  	s8 =	sshll.u32 s2, $0x1;
	_ =	strace $0x80000047;
	s7 =	sshrl.u32 s6, $0x1  }
0x8: {  	s5 =	sor.u32 s5, s8;
	s8 =	simm.s32 $0x3200;
	s6 =	ssub.s32 s6, s7  }
0x9: {  	s5 =	smul.u32 $0x32, s5;
	s7 =	simm.s32 $0x3;
	s6 =	smax.u32 s6, $0x1  }
.LBB2_1:
0xa: {  	[tilespmem:s3], [sflag:$0x3] =	stream.linear.gather [hbm4b:s4+s3], $0x3200, $0x38;
	[tilespmem:$0x13200] =	vst v63  }
0xb: {  	_ =	swait.ge [sflag:s7], $0x3200  }
0xc: {  	[sflag:s7] =	ssyncset.done $0x0  }
0xd: {  	s13 =	simm.s32 $0x0;
	[sflag:s7] =	ssyncadd.s32 $0xFFFFCE00  }
.LBB2_2:
0xe: {  	s14 =	sshll.u32 s13, $0x1  }
0xf: {  	s15 =	sadd.s32 s5, s14  }
0x10: {  	s14 =	sshll.u32 s15, $0x3  }
0x11: {  	p0 =	seq.s32 s13, $0x0;
	v0 =	vmov s14  }
0x12: {  	s16 =	simm.s32 @!p0 $0x1;
	v0 =	vand.u32 $0xFFFFFFF0, v0  }
0x13: {  	_ =	swait.ge @!p0 [sflag:s16], $0x8000;
	v0 =	vbroadcast v0, $0x0  }
0x14: {  	[sflag:s16] =	ssyncset.done @!p0 $0x0  }
0x15: {  	[sflag:s16] =	ssyncadd.s32 @!p0 $0xFFFF8000;
	s16 =	simm.s32 @!p0 $0x2  }
0x16: {  	_ =	swait.ge @!p0 [sflag:s16], $0x8000  }
0x17: {  	[sflag:s16] =	ssyncset.done @!p0 $0x0  }
0x18: {  	s31 =	simm.s32 $0x0;
	[sflag:s16] =	ssyncadd.s32 @!p0 $0xFFFF8000  }
0x19: {  	v0 =	vld.idx.msk [tilespmem:v0+s31+$0x0], $0xffff;
	_ =	sdelay $0x3  }
0x1a: {  	s17 =	simm.s32 $0x1000;
	s16 =	simm.s32 $0x0  }
.LBB2_3:
0x1b: {  	p0 =	sne.s32 s17, $0x1F000;
	[tilespmem:s16+$0x3270] =	vst v0  }
0x1c: {  	[tilespmem:s16+$0x3200] =	vst v0  }
0x1d: {  	[tilespmem:s16+$0x3210] =	vst v0  }
.Ltmp0:
0x1e: {  	[tilespmem:s16+$0x3220] =	vst v0;
	(pc) =	sbr.rel @p0 .LBB2_3-.Ltmp0, $4  }
0x1f: {  	[tilespmem:s16+$0x3230] =	vst v0  }
0x20: {  	[tilespmem:s16+$0x3240] =	vst v0  }
0x21: {  	[tilespmem:s16+$0x3250] =	vst v0  }
0x22: {  	[tilespmem:s16+$0x3260] =	vst v0;
	s16 =	sshra.s32 s17, $0x2;
	s17 =	sadd.s32 $0x1000, s17  }
0x23: {  	s17 =	sor.u32 $0x1, s14  }
0x24: {  	[tilespmem:s16+$0x3270] =	vst v0;
	v1 =	vmov s17  }
0x25: {  	[tilespmem:s16+$0x3200] =	vst v0;
	v1 =	vand.u32 $0xFFFFFFF1, v1  }
0x26: {  	[tilespmem:s16+$0x3210] =	vst v0;
	v1 =	vbroadcast v1, $0x0  }
0x27: {  	[tilespmem:s16+$0x3220] =	vst v0  }
0x28: {  	[tilespmem:s16+$0x3230] =	vst v0  }
0x29: {  	[tilespmem:s16+$0x3240] =	vst v0  }
0x2a: {  	[tilespmem:s16+$0x3250] =	vst v0  }
0x2b: {  	[tilespmem:s16+$0x3260] =	vst v0;
	s31 =	simm.s32 $0x0  }
0x2c: {  	v0 =	vld.idx.msk [tilespmem:v1+s31+$0x0], $0xffff;
	_ =	sdelay $0x3  }
0x2d: {  	s16 =	simm.s32 $0x0;
	s17 =	simm.s32 $0x1000  }
.LBB2_5:
0x2e: {  	p0 =	sne.s32 s17, $0x1F000;
	[tilespmem:s16+$0x32F0] =	vst v0  }
0x2f: {  	[tilespmem:s16+$0x3280] =	vst v0  }
0x30: {  	[tilespmem:s16+$0x3290] =	vst v0  }
.Ltmp1:
0x31: {  	[tilespmem:s16+$0x32A0] =	vst v0;
	(pc) =	sbr.rel @p0 .LBB2_5-.Ltmp1, $4  }
0x32: {  	[tilespmem:s16+$0x32B0] =	vst v0  }
0x33: {  	[tilespmem:s16+$0x32C0] =	vst v0  }
0x34: {  	[tilespmem:s16+$0x32D0] =	vst v0  }
0x35: {  	[tilespmem:s16+$0x32E0] =	vst v0;
	s16 =	sshra.s32 s17, $0x2;
	s17 =	sadd.s32 $0x1000, s17  }
0x36: {  	s17 =	sor.u32 $0x2, s14  }
0x37: {  	[tilespmem:s16+$0x32F0] =	vst v0;
	v1 =	vmov s17  }
0x38: {  	[tilespmem:s16+$0x3280] =	vst v0;
	v1 =	vand.u32 $0xFFFFFFF2, v1  }
0x39: {  	[tilespmem:s16+$0x3290] =	vst v0;
	v1 =	vbroadcast v1, $0x0  }
0x3a: {  	[tilespmem:s16+$0x32A0] =	vst v0  }
0x3b: {  	[tilespmem:s16+$0x32B0] =	vst v0  }
0x3c: {  	[tilespmem:s16+$0x32C0] =	vst v0  }
0x3d: {  	[tilespmem:s16+$0x32D0] =	vst v0  }
0x3e: {  	[tilespmem:s16+$0x32E0] =	vst v0;
	s31 =	simm.s32 $0x0  }
0x3f: {  	v0 =	vld.idx.msk [tilespmem:v1+s31+$0x0], $0xffff;
	_ =	sdelay $0x3  }
0x40: {  	s16 =	simm.s32 $0x0;
	s17 =	simm.s32 $0x1000  }
.LBB2_7:
0x41: {  	p0 =	sne.s32 s17, $0x1F000;
	[tilespmem:s16+$0x3370] =	vst v0  }
0x42: {  	[tilespmem:s16+$0x3300] =	vst v0  }
0x43: {  	[tilespmem:s16+$0x3310] =	vst v0  }
.Ltmp2:
0x44: {  	[tilespmem:s16+$0x3320] =	vst v0;
	(pc) =	sbr.rel @p0 .LBB2_7-.Ltmp2, $4  }
0x45: {  	[tilespmem:s16+$0x3330] =	vst v0  }
0x46: {  	[tilespmem:s16+$0x3340] =	vst v0  }
0x47: {  	[tilespmem:s16+$0x3350] =	vst v0  }
0x48: {  	[tilespmem:s16+$0x3360] =	vst v0;
	s16 =	sshra.s32 s17, $0x2;
	s17 =	sadd.s32 $0x1000, s17  }
0x49: {  	s17 =	sor.u32 $0x3, s14  }
0x4a: {  	[tilespmem:s16+$0x3370] =	vst v0;
	v1 =	vmov s17  }
0x4b: {  	[tilespmem:s16+$0x3300] =	vst v0;
	v1 =	vand.u32 $0xFFFFFFF3, v1  }
0x4c: {  	[tilespmem:s16+$0x3310] =	vst v0;
	v1 =	vbroadcast v1, $0x0  }
0x4d: {  	[tilespmem:s16+$0x3320] =	vst v0  }
0x4e: {  	[tilespmem:s16+$0x3330] =	vst v0  }
0x4f: {  	[tilespmem:s16+$0x3340] =	vst v0  }
0x50: {  	[tilespmem:s16+$0x3350] =	vst v0  }
0x51: {  	[tilespmem:s16+$0x3360] =	vst v0;
	s31 =	simm.s32 $0x0  }
0x52: {  	v0 =	vld.idx.msk [tilespmem:v1+s31+$0x0], $0xffff;
	_ =	sdelay $0x3  }
0x53: {  	s16 =	simm.s32 $0x0;
	s17 =	simm.s32 $0x1000  }
.LBB2_9:
0x54: {  	p0 =	sne.s32 s17, $0x1F000;
	[tilespmem:s16+$0x33F0] =	vst v0  }
0x55: {  	[tilespmem:s16+$0x3380] =	vst v0  }
0x56: {  	[tilespmem:s16+$0x3390] =	vst v0  }
.Ltmp3:
0x57: {  	[tilespmem:s16+$0x33A0] =	vst v0;
	(pc) =	sbr.rel @p0 .LBB2_9-.Ltmp3, $4  }
0x58: {  	[tilespmem:s16+$0x33B0] =	vst v0  }
0x59: {  	[tilespmem:s16+$0x33C0] =	vst v0  }
0x5a: {  	[tilespmem:s16+$0x33D0] =	vst v0  }
0x5b: {  	[tilespmem:s16+$0x33E0] =	vst v0;
	s16 =	sshra.s32 s17, $0x2;
	s17 =	sadd.s32 $0x1000, s17  }
0x5c: {  	s17 =	sor.u32 $0x4, s14  }
0x5d: {  	[tilespmem:s16+$0x33F0] =	vst v0;
	v1 =	vmov s17  }
0x5e: {  	[tilespmem:s16+$0x3380] =	vst v0;
	v1 =	vand.u32 $0xFFFFFFF4, v1  }
0x5f: {  	[tilespmem:s16+$0x3390] =	vst v0;
	v1 =	vbroadcast v1, $0x0  }
0x60: {  	[tilespmem:s16+$0x33A0] =	vst v0  }
0x61: {  	[tilespmem:s16+$0x33B0] =	vst v0  }
0x62: {  	[tilespmem:s16+$0x33C0] =	vst v0  }
0x63: {  	[tilespmem:s16+$0x33D0] =	vst v0  }
0x64: {  	[tilespmem:s16+$0x33E0] =	vst v0;
	s31 =	simm.s32 $0x0  }
0x65: {  	v0 =	vld.idx.msk [tilespmem:v1+s31+$0x0], $0xffff;
	_ =	sdelay $0x3  }
0x66: {  	s16 =	simm.s32 $0x0;
	s17 =	simm.s32 $0x1000  }
.LBB2_11:
0x67: {  	p0 =	sne.s32 s17, $0x1F000;
	[tilespmem:s16+$0x3470] =	vst v0  }
0x68: {  	[tilespmem:s16+$0x3400] =	vst v0  }
0x69: {  	[tilespmem:s16+$0x3410] =	vst v0  }
.Ltmp4:
0x6a: {  	[tilespmem:s16+$0x3420] =	vst v0;
	(pc) =	sbr.rel @p0 .LBB2_11-.Ltmp4, $4  }
0x6b: {  	[tilespmem:s16+$0x3430] =	vst v0  }
0x6c: {  	[tilespmem:s16+$0x3440] =	vst v0  }
0x6d: {  	[tilespmem:s16+$0x3450] =	vst v0  }
0x6e: {  	[tilespmem:s16+$0x3460] =	vst v0;
	s16 =	sshra.s32 s17, $0x2;
	s17 =	sadd.s32 $0x1000, s17  }
0x6f: {  	s17 =	sor.u32 $0x5, s14  }
0x70: {  	[tilespmem:s16+$0x3470] =	vst v0;
	v1 =	vmov s17  }
0x71: {  	[tilespmem:s16+$0x3400] =	vst v0;
	v1 =	vand.u32 $0xFFFFFFF5, v1  }
0x72: {  	[tilespmem:s16+$0x3410] =	vst v0;
	v1 =	vbroadcast v1, $0x0  }
0x73: {  	[tilespmem:s16+$0x3420] =	vst v0  }
0x74: {  	[tilespmem:s16+$0x3430] =	vst v0  }
0x75: {  	[tilespmem:s16+$0x3440] =	vst v0  }
0x76: {  	[tilespmem:s16+$0x3450] =	vst v0  }
0x77: {  	[tilespmem:s16+$0x3460] =	vst v0;
	s31 =	simm.s32 $0x0  }
0x78: {  	v0 =	vld.idx.msk [tilespmem:v1+s31+$0x0], $0xffff;
	_ =	sdelay $0x3  }
0x79: {  	s16 =	simm.s32 $0x0;
	s17 =	simm.s32 $0x1000  }
.LBB2_13:
0x7a: {  	p0 =	sne.s32 s17, $0x1F000;
	[tilespmem:s16+$0x34F0] =	vst v0  }
0x7b: {  	[tilespmem:s16+$0x3480] =	vst v0  }
0x7c: {  	[tilespmem:s16+$0x3490] =	vst v0  }
.Ltmp5:
0x7d: {  	[tilespmem:s16+$0x34A0] =	vst v0;
	(pc) =	sbr.rel @p0 .LBB2_13-.Ltmp5, $4  }
0x7e: {  	[tilespmem:s16+$0x34B0] =	vst v0  }
0x7f: {  	[tilespmem:s16+$0x34C0] =	vst v0  }
0x80: {  	[tilespmem:s16+$0x34D0] =	vst v0  }
0x81: {  	[tilespmem:s16+$0x34E0] =	vst v0;
	s16 =	sshra.s32 s17, $0x2;
	s17 =	sadd.s32 $0x1000, s17  }
0x82: {  	s17 =	sor.u32 $0x6, s14  }
0x83: {  	[tilespmem:s16+$0x34F0] =	vst v0;
	v1 =	vmov s17  }
0x84: {  	[tilespmem:s16+$0x3480] =	vst v0;
	v1 =	vand.u32 $0xFFFFFFF6, v1  }
0x85: {  	[tilespmem:s16+$0x3490] =	vst v0;
	v1 =	vbroadcast v1, $0x0  }
0x86: {  	[tilespmem:s16+$0x34A0] =	vst v0  }
0x87: {  	[tilespmem:s16+$0x34B0] =	vst v0  }
0x88: {  	[tilespmem:s16+$0x34C0] =	vst v0  }
0x89: {  	[tilespmem:s16+$0x34D0] =	vst v0  }
0x8a: {  	[tilespmem:s16+$0x34E0] =	vst v0;
	s31 =	simm.s32 $0x0  }
0x8b: {  	v0 =	vld.idx.msk [tilespmem:v1+s31+$0x0], $0xffff;
	_ =	sdelay $0x3  }
0x8c: {  	s16 =	simm.s32 $0x0;
	s17 =	simm.s32 $0x1000  }
.LBB2_15:
0x8d: {  	p0 =	sne.s32 s17, $0x1F000;
	[tilespmem:s16+$0x3570] =	vst v0  }
0x8e: {  	[tilespmem:s16+$0x3500] =	vst v0  }
0x8f: {  	[tilespmem:s16+$0x3510] =	vst v0  }
.Ltmp6:
0x90: {  	[tilespmem:s16+$0x3520] =	vst v0;
	(pc) =	sbr.rel @p0 .LBB2_15-.Ltmp6, $4  }
0x91: {  	[tilespmem:s16+$0x3530] =	vst v0  }
0x92: {  	[tilespmem:s16+$0x3540] =	vst v0  }
0x93: {  	[tilespmem:s16+$0x3550] =	vst v0  }
0x94: {  	[tilespmem:s16+$0x3560] =	vst v0;
	s16 =	sshra.s32 s17, $0x2;
	s17 =	sadd.s32 $0x1000, s17  }
0x95: {  	s17 =	sor.u32 $0x7, s14  }
0x96: {  	[tilespmem:s16+$0x3570] =	vst v0;
	v1 =	vmov s17  }
0x97: {  	[tilespmem:s16+$0x3500] =	vst v0;
	v1 =	vand.u32 $0xFFFFFFF7, v1  }
0x98: {  	[tilespmem:s16+$0x3510] =	vst v0;
	v1 =	vbroadcast v1, $0x0  }
0x99: {  	[tilespmem:s16+$0x3520] =	vst v0  }
0x9a: {  	[tilespmem:s16+$0x3530] =	vst v0  }
0x9b: {  	[tilespmem:s16+$0x3540] =	vst v0  }
0x9c: {  	[tilespmem:s16+$0x3550] =	vst v0  }
0x9d: {  	[tilespmem:s16+$0x3560] =	vst v0;
	s31 =	simm.s32 $0x0  }
0x9e: {  	v0 =	vld.idx.msk [tilespmem:v1+s31+$0x0], $0xffff;
	_ =	sdelay $0x3  }
0x9f: {  	s16 =	simm.s32 $0x1000;
	s17 =	simm.s32 $0x0  }
.LBB2_17:
0xa0: {  	p0 =	sne.s32 s16, $0x1F000;
	[tilespmem:s17+$0x35F0] =	vst v0  }
0xa1: {  	[tilespmem:s17+$0x3580] =	vst v0  }
0xa2: {  	[tilespmem:s17+$0x3590] =	vst v0  }
.Ltmp7:
0xa3: {  	[tilespmem:s17+$0x35A0] =	vst v0;
	(pc) =	sbr.rel @p0 .LBB2_17-.Ltmp7, $4  }
0xa4: {  	[tilespmem:s17+$0x35B0] =	vst v0  }
0xa5: {  	[tilespmem:s17+$0x35C0] =	vst v0  }
0xa6: {  	[tilespmem:s17+$0x35D0] =	vst v0  }
0xa7: {  	[tilespmem:s17+$0x35E0] =	vst v0;
	s17 =	sshra.s32 s16, $0x2;
	s16 =	sadd.s32 $0x1000, s16  }
0xa8: {  	[tilespmem:s17+$0x35F0] =	vst v0;
	s16 =	sor.u32 $0x8, s14  }
0xa9: {  	[tilespmem:s17+$0x3580] =	vst v0;
	v1 =	vmov s16  }
0xaa: {  	[tilespmem:s17+$0x3590] =	vst v0;
	v1 =	vand.u32 $0xFFFFFFF8, v1  }
0xab: {  	[tilespmem:s17+$0x35A0] =	vst v0;
	v1 =	vbroadcast v1, $0x0  }
0xac: {  	[tilespmem:s17+$0x35B0] =	vst v0  }
0xad: {  	[tilespmem:s17+$0x35C0] =	vst v0  }
0xae: {  	[tilespmem:s17+$0x35D0] =	vst v0;
	s15 =	sshll.u32 s15, $0xC  }
0xaf: {  	[tilespmem:s17+$0x35E0] =	vst v0;
	s31 =	simm.s32 $0x0;
	s15 =	sadd.s32 s1, s15  }
0xb0: {  	[hbm4b:s15+s31] =	stream.linear.scatter [tilespmem:s8], [sflag:$0x1], $0x8000, $0x38;
	[tilespmem:$0x13200] =	vst v63  }
0xb1: {  	v0 =	vld.idx.msk [tilespmem:v1+s31+$0x0], $0xffff;
	_ =	sdelay $0x3  }
0xb2: {  	s17 =	simm.s32 $0x1000;
	s15 =	simm.s32 $0x0  }
.LBB2_19:
0xb3: {  	p0 =	sne.s32 s17, $0x1F000;
	[tilespmem:s15+$0xB270] =	vst v0  }
0xb4: {  	[tilespmem:s15+$0xB200] =	vst v0  }
0xb5: {  	[tilespmem:s15+$0xB210] =	vst v0  }
.Ltmp8:
0xb6: {  	[tilespmem:s15+$0xB220] =	vst v0;
	(pc) =	sbr.rel @p0 .LBB2_19-.Ltmp8, $4  }
0xb7: {  	[tilespmem:s15+$0xB230] =	vst v0  }
0xb8: {  	[tilespmem:s15+$0xB240] =	vst v0  }
0xb9: {  	[tilespmem:s15+$0xB250] =	vst v0  }
0xba: {  	[tilespmem:s15+$0xB260] =	vst v0;
	s15 =	sshra.s32 s17, $0x2;
	s17 =	sadd.s32 $0x1000, s17  }
0xbb: {  	s17 =	sor.u32 $0x9, s14  }
0xbc: {  	[tilespmem:s15+$0xB270] =	vst v0;
	v1 =	vmov s17  }
0xbd: {  	[tilespmem:s15+$0xB200] =	vst v0;
	v1 =	vand.u32 $0xFFFFFFF9, v1  }
0xbe: {  	[tilespmem:s15+$0xB210] =	vst v0;
	v1 =	vbroadcast v1, $0x0  }
0xbf: {  	[tilespmem:s15+$0xB220] =	vst v0  }
0xc0: {  	[tilespmem:s15+$0xB230] =	vst v0  }
0xc1: {  	[tilespmem:s15+$0xB240] =	vst v0  }
0xc2: {  	[tilespmem:s15+$0xB250] =	vst v0  }
0xc3: {  	[tilespmem:s15+$0xB260] =	vst v0;
	s31 =	simm.s32 $0x0  }
0xc4: {  	v0 =	vld.idx.msk [tilespmem:v1+s31+$0x0], $0xffff;
	_ =	sdelay $0x3  }
0xc5: {  	s15 =	simm.s32 $0x0;
	s17 =	simm.s32 $0x1000  }
.LBB2_21:
0xc6: {  	p0 =	sne.s32 s17, $0x1F000;
	[tilespmem:s15+$0xB2F0] =	vst v0  }
0xc7: {  	[tilespmem:s15+$0xB280] =	vst v0  }
0xc8: {  	[tilespmem:s15+$0xB290] =	vst v0  }
.Ltmp9:
0xc9: {  	[tilespmem:s15+$0xB2A0] =	vst v0;
	(pc) =	sbr.rel @p0 .LBB2_21-.Ltmp9, $4  }
0xca: {  	[tilespmem:s15+$0xB2B0] =	vst v0  }
0xcb: {  	[tilespmem:s15+$0xB2C0] =	vst v0  }
0xcc: {  	[tilespmem:s15+$0xB2D0] =	vst v0  }
0xcd: {  	[tilespmem:s15+$0xB2E0] =	vst v0;
	s15 =	sshra.s32 s17, $0x2;
	s17 =	sadd.s32 $0x1000, s17  }
0xce: {  	s17 =	sor.u32 $0xA, s14  }
0xcf: {  	[tilespmem:s15+$0xB2F0] =	vst v0;
	v1 =	vmov s17  }
0xd0: {  	[tilespmem:s15+$0xB280] =	vst v0;
	v1 =	vand.u32 $0xFFFFFFFA, v1  }
0xd1: {  	[tilespmem:s15+$0xB290] =	vst v0;
	v1 =	vbroadcast v1, $0x0  }
0xd2: {  	[tilespmem:s15+$0xB2A0] =	vst v0  }
0xd3: {  	[tilespmem:s15+$0xB2B0] =	vst v0  }
0xd4: {  	[tilespmem:s15+$0xB2C0] =	vst v0  }
0xd5: {  	[tilespmem:s15+$0xB2D0] =	vst v0  }
0xd6: {  	[tilespmem:s15+$0xB2E0] =	vst v0;
	s31 =	simm.s32 $0x0  }
0xd7: {  	v0 =	vld.idx.msk [tilespmem:v1+s31+$0x0], $0xffff;
	_ =	sdelay $0x3  }
0xd8: {  	s15 =	simm.s32 $0x0;
	s17 =	simm.s32 $0x1000  }
.LBB2_23:
0xd9: {  	p0 =	sne.s32 s17, $0x1F000;
	[tilespmem:s15+$0xB370] =	vst v0  }
0xda: {  	[tilespmem:s15+$0xB300] =	vst v0  }
0xdb: {  	[tilespmem:s15+$0xB310] =	vst v0  }
.Ltmp10:
0xdc: {  	[tilespmem:s15+$0xB320] =	vst v0;
	(pc) =	sbr.rel @p0 .LBB2_23-.Ltmp10, $4  }
0xdd: {  	[tilespmem:s15+$0xB330] =	vst v0  }
0xde: {  	[tilespmem:s15+$0xB340] =	vst v0  }
0xdf: {  	[tilespmem:s15+$0xB350] =	vst v0  }
0xe0: {  	[tilespmem:s15+$0xB360] =	vst v0;
	s15 =	sshra.s32 s17, $0x2;
	s17 =	sadd.s32 $0x1000, s17  }
0xe1: {  	s17 =	sor.u32 $0xB, s14  }
0xe2: {  	[tilespmem:s15+$0xB370] =	vst v0;
	v1 =	vmov s17  }
0xe3: {  	[tilespmem:s15+$0xB300] =	vst v0;
	v1 =	vand.u32 $0xFFFFFFFB, v1  }
0xe4: {  	[tilespmem:s15+$0xB310] =	vst v0;
	v1 =	vbroadcast v1, $0x0  }
0xe5: {  	[tilespmem:s15+$0xB320] =	vst v0  }
0xe6: {  	[tilespmem:s15+$0xB330] =	vst v0  }
0xe7: {  	[tilespmem:s15+$0xB340] =	vst v0  }
0xe8: {  	[tilespmem:s15+$0xB350] =	vst v0  }
0xe9: {  	[tilespmem:s15+$0xB360] =	vst v0;
	s31 =	simm.s32 $0x0  }
0xea: {  	v0 =	vld.idx.msk [tilespmem:v1+s31+$0x0], $0xffff;
	_ =	sdelay $0x3  }
0xeb: {  	s15 =	simm.s32 $0x0;
	s17 =	simm.s32 $0x1000  }
.LBB2_25:
0xec: {  	p0 =	sne.s32 s17, $0x1F000;
	[tilespmem:s15+$0xB3F0] =	vst v0  }
0xed: {  	[tilespmem:s15+$0xB380] =	vst v0  }
0xee: {  	[tilespmem:s15+$0xB390] =	vst v0  }
.Ltmp11:
0xef: {  	[tilespmem:s15+$0xB3A0] =	vst v0;
	(pc) =	sbr.rel @p0 .LBB2_25-.Ltmp11, $4  }
0xf0: {  	[tilespmem:s15+$0xB3B0] =	vst v0  }
0xf1: {  	[tilespmem:s15+$0xB3C0] =	vst v0  }
0xf2: {  	[tilespmem:s15+$0xB3D0] =	vst v0  }
0xf3: {  	[tilespmem:s15+$0xB3E0] =	vst v0;
	s15 =	sshra.s32 s17, $0x2;
	s17 =	sadd.s32 $0x1000, s17  }
0xf4: {  	s17 =	sor.u32 $0xC, s14  }
0xf5: {  	[tilespmem:s15+$0xB3F0] =	vst v0;
	v1 =	vmov s17  }
0xf6: {  	[tilespmem:s15+$0xB380] =	vst v0;
	v1 =	vand.u32 $0xFFFFFFFC, v1  }
0xf7: {  	[tilespmem:s15+$0xB390] =	vst v0;
	v1 =	vbroadcast v1, $0x0  }
0xf8: {  	[tilespmem:s15+$0xB3A0] =	vst v0  }
0xf9: {  	[tilespmem:s15+$0xB3B0] =	vst v0  }
0xfa: {  	[tilespmem:s15+$0xB3C0] =	vst v0  }
0xfb: {  	[tilespmem:s15+$0xB3D0] =	vst v0  }
0xfc: {  	[tilespmem:s15+$0xB3E0] =	vst v0;
	s31 =	simm.s32 $0x0  }
0xfd: {  	v0 =	vld.idx.msk [tilespmem:v1+s31+$0x0], $0xffff;
	_ =	sdelay $0x3  }
0xfe: {  	s15 =	simm.s32 $0x0;
	s17 =	simm.s32 $0x1000  }
.LBB2_27:
0xff: {  	p0 =	sne.s32 s17, $0x1F000;
	[tilespmem:s15+$0xB470] =	vst v0  }
0x100: {  	[tilespmem:s15+$0xB400] =	vst v0  }
0x101: {  	[tilespmem:s15+$0xB410] =	vst v0  }
.Ltmp12:
0x102: {  	[tilespmem:s15+$0xB420] =	vst v0;
	(pc) =	sbr.rel @p0 .LBB2_27-.Ltmp12, $4  }
0x103: {  	[tilespmem:s15+$0xB430] =	vst v0  }
0x104: {  	[tilespmem:s15+$0xB440] =	vst v0  }
0x105: {  	[tilespmem:s15+$0xB450] =	vst v0  }
0x106: {  	[tilespmem:s15+$0xB460] =	vst v0;
	s15 =	sshra.s32 s17, $0x2;
	s17 =	sadd.s32 $0x1000, s17  }
0x107: {  	s17 =	sor.u32 $0xD, s14  }
0x108: {  	[tilespmem:s15+$0xB470] =	vst v0;
	v1 =	vmov s17  }
0x109: {  	[tilespmem:s15+$0xB400] =	vst v0;
	v1 =	vand.u32 $0xFFFFFFFD, v1  }
0x10a: {  	[tilespmem:s15+$0xB410] =	vst v0;
	v1 =	vbroadcast v1, $0x0  }
0x10b: {  	[tilespmem:s15+$0xB420] =	vst v0  }
0x10c: {  	[tilespmem:s15+$0xB430] =	vst v0  }
0x10d: {  	[tilespmem:s15+$0xB440] =	vst v0  }
0x10e: {  	[tilespmem:s15+$0xB450] =	vst v0  }
0x10f: {  	[tilespmem:s15+$0xB460] =	vst v0;
	s31 =	simm.s32 $0x0  }
0x110: {  	v0 =	vld.idx.msk [tilespmem:v1+s31+$0x0], $0xffff;
	_ =	sdelay $0x3  }
0x111: {  	s15 =	simm.s32 $0x0;
	s17 =	simm.s32 $0x1000  }
.LBB2_29:
0x112: {  	p0 =	sne.s32 s17, $0x1F000;
	[tilespmem:s15+$0xB4F0] =	vst v0  }
0x113: {  	[tilespmem:s15+$0xB480] =	vst v0  }
0x114: {  	[tilespmem:s15+$0xB490] =	vst v0  }
.Ltmp13:
0x115: {  	[tilespmem:s15+$0xB4A0] =	vst v0;
	(pc) =	sbr.rel @p0 .LBB2_29-.Ltmp13, $4  }
0x116: {  	[tilespmem:s15+$0xB4B0] =	vst v0  }
0x117: {  	[tilespmem:s15+$0xB4C0] =	vst v0  }
0x118: {  	[tilespmem:s15+$0xB4D0] =	vst v0  }
0x119: {  	[tilespmem:s15+$0xB4E0] =	vst v0;
	s15 =	sshra.s32 s17, $0x2;
	s17 =	sadd.s32 $0x1000, s17  }
0x11a: {  	s17 =	sor.u32 $0xE, s14  }
0x11b: {  	[tilespmem:s15+$0xB4F0] =	vst v0;
	v1 =	vmov s17  }
0x11c: {  	[tilespmem:s15+$0xB480] =	vst v0;
	v1 =	vand.u32 $0xFFFFFFFE, v1  }
0x11d: {  	[tilespmem:s15+$0xB490] =	vst v0;
	v1 =	vbroadcast v1, $0x0  }
0x11e: {  	[tilespmem:s15+$0xB4A0] =	vst v0  }
0x11f: {  	[tilespmem:s15+$0xB4B0] =	vst v0  }
0x120: {  	[tilespmem:s15+$0xB4C0] =	vst v0  }
0x121: {  	[tilespmem:s15+$0xB4D0] =	vst v0  }
0x122: {  	[tilespmem:s15+$0xB4E0] =	vst v0;
	s31 =	simm.s32 $0x0  }
0x123: {  	v0 =	vld.idx.msk [tilespmem:v1+s31+$0x0], $0xffff;
	_ =	sdelay $0x3  }
0x124: {  	s15 =	simm.s32 $0x0;
	s17 =	simm.s32 $0x1000  }
.LBB2_31:
0x125: {  	p0 =	sne.s32 s17, $0x1F000;
	[tilespmem:s15+$0xB570] =	vst v0  }
0x126: {  	[tilespmem:s15+$0xB500] =	vst v0  }
0x127: {  	[tilespmem:s15+$0xB510] =	vst v0  }
.Ltmp14:
0x128: {  	[tilespmem:s15+$0xB520] =	vst v0;
	(pc) =	sbr.rel @p0 .LBB2_31-.Ltmp14, $4  }
0x129: {  	[tilespmem:s15+$0xB530] =	vst v0  }
0x12a: {  	[tilespmem:s15+$0xB540] =	vst v0  }
0x12b: {  	[tilespmem:s15+$0xB550] =	vst v0  }
0x12c: {  	[tilespmem:s15+$0xB560] =	vst v0;
	s15 =	sshra.s32 s17, $0x2;
	s17 =	sadd.s32 $0x1000, s17  }
0x12d: {  	[tilespmem:s15+$0xB570] =	vst v0  }
0x12e: {  	[tilespmem:s15+$0xB500] =	vst v0  }
0x12f: {  	[tilespmem:s15+$0xB510] =	vst v0;
	s14 =	sor.u32 $0xF, s14  }
0x130: {  	[tilespmem:s15+$0xB520] =	vst v0;
	v1 =	vmov s14  }
0x131: {  	[tilespmem:s15+$0xB530] =	vst v0  }
0x132: {  	[tilespmem:s15+$0xB540] =	vst v0  }
0x133: {  	[tilespmem:s15+$0xB550] =	vst v0  }
0x134: {  	[tilespmem:s15+$0xB560] =	vst v0;
	s31 =	simm.s32 $0x0  }
0x135: {  	v0 =	vld.idx.msk [tilespmem:v1+s31+$0x0], $0xffff;
	_ =	sdelay $0x3  }
0x136: {  	s15 =	simm.s32 $0x1000;
	s14 =	simm.s32 $0x0  }
.LBB2_33:
0x137: {  	p0 =	sne.s32 s15, $0x1F000;
	[tilespmem:s14+$0xB5F0] =	vst v0  }
0x138: {  	[tilespmem:s14+$0xB580] =	vst v0  }
0x139: {  	[tilespmem:s14+$0xB590] =	vst v0  }
.Ltmp15:
0x13a: {  	[tilespmem:s14+$0xB5A0] =	vst v0;
	(pc) =	sbr.rel @p0 .LBB2_33-.Ltmp15, $4  }
0x13b: {  	[tilespmem:s14+$0xB5B0] =	vst v0  }
0x13c: {  	[tilespmem:s14+$0xB5C0] =	vst v0  }
0x13d: {  	[tilespmem:s14+$0xB5D0] =	vst v0  }
0x13e: {  	[tilespmem:s14+$0xB5E0] =	vst v0;
	s14 =	sshra.s32 s15, $0x2;
	s15 =	sadd.s32 $0x1000, s15  }
0x13f: {  	[tilespmem:s14+$0xB5F0] =	vst v0  }
0x140: {  	[tilespmem:s14+$0xB580] =	vst v0  }
0x141: {  	[tilespmem:s14+$0xB590] =	vst v0;
	s13 =	sadd.s32 $0x1, s13  }
0x142: {  	[tilespmem:s14+$0xB5A0] =	vst v0;
	p0 =	sne.s32 s13, $0x19  }
.Ltmp16:
0x143: {  	[tilespmem:s14+$0xB5B0] =	vst v0;
	(pc) =	sbr.rel @p0 .LBB2_2-.Ltmp16, $4  }
0x144: {  	[tilespmem:s14+$0xB5C0] =	vst v0  }
0x145: {  	[tilespmem:s14+$0xB5D0] =	vst v0;
	s15 =	sshll.u32 s16, $0x9  }
0x146: {  	[tilespmem:s14+$0xB5E0] =	vst v0;
	s31 =	sadd.s32 s1, s15  }
0x147: {  	[hbm4b:s31+s3] =	stream.linear.scatter [tilespmem:s9], [sflag:$0x2], $0x8000, $0x38;
	[tilespmem:$0x13200] =	vst v63  }
0x148: {  	s12 =	sadd.s32 $0x1, s12  }
0x149: {  	_ =	swait.ge [sflag:s10], $0x8000;
	p0 =	sne.s32 s12, s6  }
.Ltmp17:
0x14a: {  	[sflag:s10] =	ssyncset.done $0x0;
	(pc) =	sbr.rel @p0 .LBB2_1-.Ltmp17, $4  }
0x14b: {  	[sflag:s10] =	ssyncadd.s32 $0xFFFF8000  }
0x14c: {  	_ =	swait.ge [sflag:s11], $0x8000  }
0x14d: {  	[sflag:s11] =	ssyncset.done $0x0  }
0x14e: {  	[sflag:s11] =	ssyncadd.s32 $0xFFFF8000  }
0x14f: {  	_ =	sfence.sel $0x180000  }
0x150: {  	[bflag:$0x0] =	sbarrier.arrive $0xFFFF  }
0x151: {  	p0 =	sne.s32 s2, $0x0;
	_ =	strace $0x90000047  }
0x152: {  	s0 =	sadd.s32 @!p0 $0x100000, s0;
	[bflag:$0x2] =	sbarrier.arrive $0xFFFF  }
0x153: {  	[sflag:s0] =	ssyncadd.tile.s32 @!p0 $0x1;
	_ =	shalt  }
.Lfunc_end2:
_tile_overlayer_lowered:
.L_overlay_start_2:
0x154: {  	(tag) =	ssettag $0x2  }
0x155: {  	s0 =	rddreg [dreg:$0x0];
	s2 =	stileid.u32  }
0x156: {  	s1 =	rddreg [dreg:$0x1];
	p0 =	sne.s32 s2, $0x0  }
0x157: {  	s3 =	rddreg [dreg:$0x2];
	[bflag:$0x3] =	sbarrier.arrive $0xFFFF;
	s2 =	simm.s32 @!p0 $0x1C03  }
0x158: {  	[timem:s3], [sflag:s2] =	dma.local @!p0 [hbm:s0], s1  }
0x159: {  	s0 =	simm.s32 @!p0 $0x3  }
0x15a: {  	_ =	swait.ge @!p0 [sflag:s0], s1  }
0x15b: {  	s1 =	ssub.s32 @!p0 $0x0, s1;
	[sflag:s0] =	ssyncset.done @!p0 $0x0  }
0x15c: {  	[sflag:s0] =	ssyncadd.s32 @!p0 s1  }
0x15d: {  	[bflag:$0x3] =	sbarrier.arrive $0xFFFF  }
0x15e: {  	_ =	shalt  }

</sc_bundles>
